<compile_context>
chip_gen: v7x
topology: tpu7x:2x2x1
jax: 0.10.2.dev20260603
libtpu: 0.0.44.dev20260713+nightly
codegen_flags: <defaults>
</compile_context>

<pallas_src>
import jax
import jax.numpy as jnp
from jax import lax
from jax.experimental import pallas as pl
from jax.experimental.pallas import tpu as pltpu
from jax.experimental.pallas import tpu_sc as plsc

N = 10000
E = 320000
D = 128
K = 32
BZ = 100

NC = 2
NS = 16
NW = NC * NS
NPAD = 10240
CHUNK = 128
NCHUNKS = 2560
EPAD = NCHUNKS * CHUNK
CPW = NCHUNKS // NW
EPW = EPAD // NW
PAD_ROWS = NPAD - N


def _sc_mesh():
    return plsc.VectorSubcoreMesh(core_axis_name="c", subcore_axis_name="s")


def _deg_body(src_hbm, dst_hbm, outdo_hbm, outdi_hbm, sidx, didx, ones_v,
              zbuf, hist_out, hist_in):
    c = lax.axis_index("c")
    s = lax.axis_index("s")
    wid = s * NC + c

    def _zfill(i, _):
        i16 = pl.multiple_of(i * 16, 16)
        zbuf[pl.ds(i16, 16)] = jnp.zeros((16,), jnp.float32)
        return 0
    lax.fori_loop(0, 640 // 16, _zfill, 0)

    def _ofill(i, _):
        i16 = pl.multiple_of(i * 16, 16)
        ones_v[pl.ds(i16, 16)] = jnp.ones((16,), jnp.float32)
        return 0
    lax.fori_loop(0, EPW // 16, _ofill, 0)

    pltpu.sync_copy(zbuf, hist_out.at[pl.ds(s * 640, 640)])
    pltpu.sync_copy(zbuf, hist_in.at[pl.ds(s * 640, 640)])

    pltpu.sync_copy(src_hbm.at[pl.ds(wid * EPW, EPW)], sidx)
    pltpu.sync_copy(dst_hbm.at[pl.ds(wid * EPW, EPW)], didx)

    plsc.subcore_barrier()

    pltpu.sync_copy(ones_v, hist_out.at[sidx], add=True)
    pltpu.sync_copy(ones_v, hist_in.at[didx], add=True)

    plsc.subcore_barrier()

    pltpu.sync_copy(hist_out.at[pl.ds(s * 640, 640)],
                    outdo_hbm.at[c, pl.ds(s * 640, 640)])
    pltpu.sync_copy(hist_in.at[pl.ds(s * 640, 640)],
                    outdi_hbm.at[c, pl.ds(s * 640, 640)])


def _degrees(src2d, dst2d):
    f = pl.kernel(
        _deg_body,
        out_type=(jax.ShapeDtypeStruct((NC, NPAD), jnp.float32),
                  jax.ShapeDtypeStruct((NC, NPAD), jnp.float32)),
        mesh=_sc_mesh(),
        scratch_types=[
            pltpu.VMEM((EPW,), jnp.int32),
            pltpu.VMEM((EPW,), jnp.int32),
            pltpu.VMEM((EPW,), jnp.float32),
            pltpu.VMEM((640,), jnp.float32),
            pltpu.VMEM_SHARED((NPAD,), jnp.float32),
            pltpu.VMEM_SHARED((NPAD,), jnp.float32),
        ],
    )
    return f(src2d.reshape(EPAD), dst2d.reshape(EPAD))


NPH = 2
IPP = CPW // NPH
NB = 2


def _agg_body(hn_hbm, src_hbm, dst_hbm, out_hbm, sidx, didx, rbuf,
              sem0, sem1, acc):
    c = lax.axis_index("c")
    s = lax.axis_index("s")
    wid = s * NC + c
    sems = (sem0, sem1)

    def _zfill(r, _):
        for i in range(D // 16):
            rbuf[0, r, pl.ds(i * 16, 16)] = jnp.zeros((16,), jnp.float32)
        return 0
    lax.fori_loop(0, CHUNK, _zfill, 0)
    for j in range(640 // CHUNK):
        pltpu.sync_copy(rbuf.at[0], acc.at[pl.ds(s * 640 + j * CHUNK, CHUNK)])

    plsc.subcore_barrier()

    for ph in range(NPH):
        eb = wid * CPW + ph * IPP
        pltpu.sync_copy(src_hbm.at[pl.ds(eb, IPP)], sidx)
        pltpu.sync_copy(dst_hbm.at[pl.ds(eb, IPP)], didx)

        for b in range(NB):
            pltpu.async_copy(hn_hbm.at[sidx.at[b]], rbuf.at[b], sems[b])

        def _outer(jo, _):
            for b in range(NB):
                j = jo * NB + b
                pltpu.make_async_copy(hn_hbm.at[sidx.at[j]], rbuf.at[b],
                                      sems[b]).wait()
                pltpu.sync_copy(rbuf.at[b], acc.at[didx.at[j]], add=True)

                @pl.when(j + NB < IPP)
                def _():
                    pltpu.async_copy(hn_hbm.at[sidx.at[j + NB]], rbuf.at[b],
                                     sems[b])
            return 0
        lax.fori_loop(0, IPP // NB, _outer, 0)

    plsc.subcore_barrier()

    pltpu.sync_copy(acc.at[pl.ds(s * 640, 640)],
                    out_hbm.at[c, pl.ds(s * 640, 640)])


def _aggregate(hn, src2d, dst2d):
    f = pl.kernel(
        _agg_body,
        out_type=jax.ShapeDtypeStruct((NC, NPAD, D), jnp.float32),
        mesh=_sc_mesh(),
        scratch_types=[
            pltpu.VMEM((IPP, CHUNK), jnp.int32),
            pltpu.VMEM((IPP, CHUNK), jnp.int32),
            pltpu.VMEM((NB, CHUNK, D), jnp.float32),
            pltpu.SemaphoreType.DMA,
            pltpu.SemaphoreType.DMA,
            pltpu.VMEM_SHARED((NPAD, D), jnp.float32),
        ],
    )
    return f(hn, src2d, dst2d)


def _norm_body(dop_ref, h_ref, hn_ref):
    dop = dop_ref[...]
    deg_out = dop[0] + dop[1]
    csrc = lax.rsqrt(jnp.where(deg_out > 0, deg_out, 1.0))
    hn_ref[pl.ds(0, N)] = h_ref[...] * csrc[:N]
    hn_ref[pl.ds(N, PAD_ROWS)] = jnp.zeros((PAD_ROWS, D), jnp.float32)


def _normalize(dop, h):
    return pl.pallas_call(
        _norm_body,
        out_shape=jax.ShapeDtypeStruct((NPAD, D), jnp.float32),
    )(dop, h)


def _dense_step0(aggp_ref, degp_ref, h_ref, wf_ref, bf_ref, gf_ref, betf_ref,
                 wp_ref, bp_ref, gp_ref, betp_ref, pooled_sc):
    aggp = aggp_ref[...]
    degp = degp_ref[...]
    deg_in = degp[0] + degp[1]
    cdst = lax.rsqrt(jnp.where(deg_in > 0, deg_in, 1.0))
    scaled = (aggp[0] + aggp[1])[:N] * cdst[:N]

    zf = jnp.dot(scaled, wf_ref[...], preferred_element_type=jnp.float32)
    zf = zf + bf_ref[...]
    m = jnp.mean(zf, axis=0, keepdims=True)
    xc = zf - m
    v = jnp.mean(xc * xc, axis=0, keepdims=True)
    featv = xc / jnp.sqrt(v + 1e-5) * gf_ref[...] + betf_ref[...]
    feat = jnp.maximum(featv, 0.0) + h_ref[...]

    zp = jnp.dot(scaled, wp_ref[...], preferred_element_type=jnp.float32)
    zp = zp + bp_ref[...]
    mp = jnp.mean(zp, axis=0, keepdims=True)
    xp = zp - mp
    vp = jnp.mean(xp * xp, axis=0, keepdims=True)
    ap = xp / jnp.sqrt(vp + 1e-5) * gp_ref[...] + betp_ref[...]
    ap = jnp.maximum(ap, 0.0)
    mx = jnp.max(ap, axis=1, keepdims=True)
    ex = jnp.exp(ap - mx)
    assign = ex / jnp.sum(ex, axis=1, keepdims=True)

    feat3 = feat.reshape(BZ, N // BZ, D)
    assign3 = assign.reshape(BZ, N // BZ, K)
    pooled = lax.dot_general(
        assign3, feat3, (((1,), (1,)), ((0,), (0,))),
        preferred_element_type=jnp.float32)
    pooled_sc[...] = pooled.reshape(BZ * K, D)


_M = BZ * K
_BLK = 128


def _dense_body(aggp_ref, degp_ref, h_ref, wf_ref, bf_ref, gf_ref, betf_ref,
                wp_ref, bp_ref, gp_ref, betp_ref, out_ref, pooled_sc):
    i = pl.program_id(0)

    @pl.when(i == 0)
    def _():
        _dense_step0(aggp_ref, degp_ref, h_ref, wf_ref, bf_ref, gf_ref,
                     betf_ref, wp_ref, bp_ref, gp_ref, betp_ref, pooled_sc)

    inv = 1.0 / (_M ** 0.5)
    blk = pooled_sc[pl.ds(i * _BLK, _BLK)]
    out_ref[...] = lax.dot_general(blk, pooled_sc[...],
                                   (((1,), (1,)), ((), ())),
                                   preferred_element_type=jnp.float32) * inv


def _dense(aggp, degp, h, wf, bf, gf, betf, wp, bp, gp, betp):
    zero = lambda i: (0, 0)
    zero3 = lambda i: (0, 0, 0)
    return pl.pallas_call(
        _dense_body,
        grid=(_M // _BLK,),
        in_specs=[pl.BlockSpec((NC, NPAD, D), zero3),
                  pl.BlockSpec((NC, NPAD, 1), zero3),
                  pl.BlockSpec((N, D), zero),
                  pl.BlockSpec((D, D), zero),
                  pl.BlockSpec((1, D), zero),
                  pl.BlockSpec((1, D), zero),
                  pl.BlockSpec((1, D), zero),
                  pl.BlockSpec((D, K), zero),
                  pl.BlockSpec((1, K), zero),
                  pl.BlockSpec((1, K), zero),
                  pl.BlockSpec((1, K), zero)],
        out_specs=pl.BlockSpec((_BLK, _M), lambda i: (i, 0)),
        out_shape=jax.ShapeDtypeStruct((_M, _M), jnp.float32),
        scratch_shapes=[pltpu.VMEM((_M, D), jnp.float32)],
    )(aggp, degp, h, wf, bf, gf, betf, wp, bp, gp, betp)


def kernel(h, edge_index, e, W_feat, b_feat, gamma_feat, beta_feat,
           W_pool, b_pool, gamma_pool, beta_pool):
    src = edge_index[0]
    dst = edge_index[1]
    npad_e = EPAD - E
    pad_idx = N + (jnp.arange(npad_e, dtype=jnp.int32) % PAD_ROWS)
    src2d = jnp.concatenate([src, pad_idx]).reshape(NCHUNKS, CHUNK)
    dst2d = jnp.concatenate([dst, pad_idx]).reshape(NCHUNKS, CHUNK)

    dop, dip = _degrees(src2d, dst2d)
    hn = _normalize(dop.reshape(NC, NPAD, 1), h)
    aggp = _aggregate(hn, src2d, dst2d)
    return _dense(
        aggp, dip.reshape(NC, NPAD, 1), h,
        W_feat, b_feat.reshape(1, D), gamma_feat.reshape(1, D),
        beta_feat.reshape(1, D),
        W_pool, b_pool.reshape(1, K), gamma_pool.reshape(1, K),
        beta_pool.reshape(1, K))

# --- scband reference (transcript-rebuilt; emitter-appended) ---
"""Pipeline reference for scband-node-alignment-25271587570198 (READ-ONLY COPY).

The authoritative reference and input builder live on the scoring server;
editing this copy changes nothing except your own understanding.
"""

import jax, jax.numpy as jnp
import numpy as np

N = 10000
E = 320000
IN_DIM = 128
FEAT_DIM = 128
OUT_NODE_NUM = 32
BZ = 100  # g.batch_size: 100 graphs of 100 nodes each
D_EDGE = 16


def setup_inputs(seed: int = 0) -> dict:
    key = jax.random.key(seed)
    ks = jax.random.split(key, 12)
    h = jax.random.normal(ks[0], (N, IN_DIM), dtype=jnp.float32)
    edge_index = jax.random.randint(ks[1], (2, E), 0, N, dtype=jnp.int32)
    e = jax.random.normal(ks[2], (E, D_EDGE), dtype=jnp.float32)
    s_in = 1.0 / np.sqrt(IN_DIM)
    W_feat = jax.random.normal(ks[3], (IN_DIM, FEAT_DIM), dtype=jnp.float32) * s_in
    b_feat = jnp.zeros((FEAT_DIM,), dtype=jnp.float32)
    gamma_feat = jnp.ones((FEAT_DIM,), dtype=jnp.float32)
    beta_feat = jnp.zeros((FEAT_DIM,), dtype=jnp.float32)
    W_pool = jax.random.normal(ks[4], (IN_DIM, OUT_NODE_NUM), dtype=jnp.float32) * s_in
    b_pool = jnp.zeros((OUT_NODE_NUM,), dtype=jnp.float32)
    gamma_pool = jnp.ones((OUT_NODE_NUM,), dtype=jnp.float32)
    beta_pool = jnp.zeros((OUT_NODE_NUM,), dtype=jnp.float32)
    return {"h": h, "edge_index": edge_index, "e": e,
            "W_feat": W_feat, "b_feat": b_feat, "gamma_feat": gamma_feat, "beta_feat": beta_feat,
            "W_pool": W_pool, "b_pool": b_pool, "gamma_pool": gamma_pool, "beta_pool": beta_pool}


def _gcn_layer(h, edge_index, W, b, gamma, beta, residual):
    # GCNLayer: symmetric-normalized graph conv + linear + batchnorm + relu (+ residual); dropout=0.0 -> identity
    src = edge_index[0]
    dst = edge_index[1]
    ones = jnp.ones((edge_index.shape[1],), dtype=jnp.float32)
    deg_out = jax.ops.segment_sum(ones, src, num_segments=N)
    deg_in = jax.ops.segment_sum(ones, dst, num_segments=N)
    c_src = jnp.where(deg_out > 0, deg_out, 1.0) ** -0.5
    c_dst = jnp.where(deg_in > 0, deg_in, 1.0) ** -0.5
    h_norm = h * c_src[:, None]
    msg = jnp.take(h_norm, src, axis=0)            # gather over edges (memory bound)
    agg = jax.ops.segment_sum(msg, dst, num_segments=N)  # scatter-add
    agg = agg * c_dst[:, None]
    out = agg @ W + b
    mean = jnp.mean(out, axis=0)
    var = jnp.var(out, axis=0)
    out = (out - mean) / jnp.sqrt(var + 1e-5) * gamma + beta
    out = jax.nn.relu(out)
    if residual:
        out = out + h
    return out


def reference(h, edge_index, e, W_feat, b_feat, gamma_feat, beta_feat, W_pool, b_pool, gamma_pool, beta_pool):
    feat = _gcn_layer(h, edge_index, W_feat, b_feat, gamma_feat, beta_feat, residual=True)
    assign = _gcn_layer(h, edge_index, W_pool, b_pool, gamma_pool, beta_pool, residual=False)
    assign = jax.nn.softmax(assign.reshape(BZ, -1, OUT_NODE_NUM), axis=-1)
    feat_b = feat.reshape(BZ, -1, FEAT_DIM)
    pooled = jnp.einsum('bnk,bnf->bkf', assign, feat_b).reshape(-1, FEAT_DIM)
    scale = jnp.sqrt(jnp.asarray(pooled.shape[0], dtype=jnp.float32))
    out = (pooled @ pooled.T) / scale
    return out

if __name__ == "__main__":
    import jax
    _d = setup_inputs()
    print(jax.jit(kernel)(*tuple(_d.values())))

</pallas_src>

<mosaic_0001>
#map = affine_map<(d0, d1) -> (0)>
#map1 = affine_map<(d0, d1) -> (0, 0)>
module attributes {stable_mosaic.version = 14 : i64} {
  func.func @_deg_body(%arg0: i32, %arg1: i32, %arg2: memref<327680xi32, #tpu.memory_space<hbm>>, %arg3: memref<327680xi32, #tpu.memory_space<hbm>>, %arg4: memref<2x10240xf32, #tpu.memory_space<hbm>>, %arg5: memref<2x10240xf32, #tpu.memory_space<hbm>>, %arg6: memref<10240xi32, #tpu.memory_space<vmem>>, %arg7: memref<10240xi32, #tpu.memory_space<vmem>>, %arg8: memref<10240xf32, #tpu.memory_space<vmem>>, %arg9: memref<640xf32, #tpu.memory_space<vmem>>, %arg10: memref<10240xf32, #tpu.memory_space<vmem_shared>>, %arg11: memref<10240xf32, #tpu.memory_space<vmem_shared>>) attributes {dimension_semantics = [#tpu.dimension_semantics<core_parallel>, #tpu.dimension_semantics<subcore_parallel>], iteration_bounds = array<i64: 2, 16>, scalar_prefetch = 0 : i64, scratch_operands = 6 : i64, tpu.core_type = #tpu.core_type<sc_vector_subcore>, window_params = [{transform_indices = #map}, {transform_indices = #map}, {transform_indices = #map1}, {transform_indices = #map1}]} {
    %mul3A = arith.constant 2 : i32
    %mul3A_0 = arith.muli %arg1, %mul3A : i32
    %add3A = arith.addi %mul3A_0, %arg0 : i32
    %scan3A = arith.constant 0 : i32
    %scan3A_1 = arith.constant 0 : i32
    %scan3A_2 = arith.constant 40 : i32
    %scan3A_3 = arith.addi %scan3A_1, %scan3A_2 : i32
    %scan3A_4 = arith.constant 1 : i32
    %scan3A_5 = scf.for %scan3A_31 = %scan3A_1 to %scan3A_3 step %scan3A_4 iter_args(%scan3A_32 = %scan3A) -> (i32)  : i32 {
      %mul3A_33 = arith.constant 16 : i32
      %mul3A_34 = arith.muli %scan3A_31, %mul3A_33 : i32
      %multiple_of3A = tpu.assume_multiple %mul3A_34, 16 : i32
      %broadcast_in_dim3A = arith.constant 0.000000e+00 : f32
      %broadcast_in_dim3A_35 = vector.broadcast %broadcast_in_dim3A : f32 to vector<16xf32>
      %swap3A = arith.index_cast %multiple_of3A : i32 to index
      %swap3A_36 = tpu.vector_load %arg9[%swap3A] {strides = array<i32>} : memref<640xf32, #tpu.memory_space<vmem>>, vector<16xf32>,
      %swap3A_37 = vector.shape_cast %swap3A_36 : vector<16xf32> to vector<16xf32>
      %swap3A_38 = vector.shape_cast %broadcast_in_dim3A_35 : vector<16xf32> to vector<16xf32>
      tpu.vector_store %arg9[%swap3A], %swap3A_38 {strides = array<i32>} : memref<640xf32, #tpu.memory_space<vmem>>, vector<16xf32>,
      %scan3A_39 = arith.constant 0 : i32
      scf.yield %scan3A_39 : i32
    }
    %scan3A_6 = arith.constant 40 : i32
    %scan3A_7 = arith.constant 0 : i32
    %scan3A_8 = arith.constant 0 : i32
    %scan3A_9 = arith.constant 640 : i32
    %scan3A_10 = arith.addi %scan3A_8, %scan3A_9 : i32
    %scan3A_11 = arith.constant 1 : i32
    %scan3A_12 = scf.for %scan3A_31 = %scan3A_8 to %scan3A_10 step %scan3A_11 iter_args(%scan3A_32 = %scan3A_7) -> (i32)  : i32 {
      %mul3A_33 = arith.constant 16 : i32
      %mul3A_34 = arith.muli %scan3A_31, %mul3A_33 : i32
      %multiple_of3A = tpu.assume_multiple %mul3A_34, 16 : i32
      %broadcast_in_dim3A = arith.constant 1.000000e+00 : f32
      %broadcast_in_dim3A_35 = vector.broadcast %broadcast_in_dim3A : f32 to vector<16xf32>
      %swap3A = arith.index_cast %multiple_of3A : i32 to index
      %swap3A_36 = tpu.vector_load %arg8[%swap3A] {strides = array<i32>} : memref<10240xf32, #tpu.memory_space<vmem>>, vector<16xf32>,
      %swap3A_37 = vector.shape_cast %swap3A_36 : vector<16xf32> to vector<16xf32>
      %swap3A_38 = vector.shape_cast %broadcast_in_dim3A_35 : vector<16xf32> to vector<16xf32>
      tpu.vector_store %arg8[%swap3A], %swap3A_38 {strides = array<i32>} : memref<10240xf32, #tpu.memory_space<vmem>>, vector<16xf32>,
      %scan3A_39 = arith.constant 0 : i32
      scf.yield %scan3A_39 : i32
    }
    %scan3A_13 = arith.constant 640 : i32
    %mul3A_14 = arith.constant 640 : i32
    %mul3A_15 = arith.muli %arg1, %mul3A_14 : i32
    "tpu.region"() ({
      %run_scoped3A = tpu.sem_alloc : memref<!tpu.dma_semaphore, #tpu.memory_space<semaphore_mem>>
      %dma_start3A = tpu.memref_slice %arg10[%mul3A_15] : memref<10240xf32, #tpu.memory_space<vmem_shared>> -> memref<640xf32, #tpu.memory_space<vmem_shared>>
      %dma_start3A_31 = tpu.memref_slice %arg10[%mul3A_15] : memref<10240xf32, #tpu.memory_space<vmem_shared>> -> memref<640xf32, #tpu.memory_space<vmem_shared>>
      tpu.enqueue_dma source(%arg9 : memref<640xf32, #tpu.memory_space<vmem>>) target(%dma_start3A_31 : memref<640xf32, #tpu.memory_space<vmem_shared>>) target_semaphore(%run_scoped3A : memref<!tpu.dma_semaphore, #tpu.memory_space<semaphore_mem>>)
      %dma_wait3A = tpu.memref_slice %arg10[%mul3A_15] : memref<10240xf32, #tpu.memory_space<vmem_shared>> -> memref<640xf32, #tpu.memory_space<vmem_shared>>
      %dma_wait3A_32 = tpu.memref_slice %arg10[%mul3A_15] : memref<10240xf32, #tpu.memory_space<vmem_shared>> -> memref<640xf32, #tpu.memory_space<vmem_shared>>
      tpu.wait_dma2 semaphore(%run_scoped3A : memref<!tpu.dma_semaphore, #tpu.memory_space<semaphore_mem>>) src(%arg9 : memref<640xf32, #tpu.memory_space<vmem>>) dst(%dma_wait3A_32 : memref<640xf32, #tpu.memory_space<vmem_shared>>)
      tpu.yield
    }) : () -> ()
    %mul3A_16 = arith.constant 640 : i32
    %mul3A_17 = arith.muli %arg1, %mul3A_16 : i32
    "tpu.region"() ({
      %run_scoped3A = tpu.sem_alloc : memref<!tpu.dma_semaphore, #tpu.memory_space<semaphore_mem>>
      %dma_start3A = tpu.memref_slice %arg11[%mul3A_17] : memref<10240xf32, #tpu.memory_space<vmem_shared>> -> memref<640xf32, #tpu.memory_space<vmem_shared>>
      %dma_start3A_31 = tpu.memref_slice %arg11[%mul3A_17] : memref<10240xf32, #tpu.memory_space<vmem_shared>> -> memref<640xf32, #tpu.memory_space<vmem_shared>>
      tpu.enqueue_dma source(%arg9 : memref<640xf32, #tpu.memory_space<vmem>>) target(%dma_start3A_31 : memref<640xf32, #tpu.memory_space<vmem_shared>>) target_semaphore(%run_scoped3A : memref<!tpu.dma_semaphore, #tpu.memory_space<semaphore_mem>>)
      %dma_wait3A = tpu.memref_slice %arg11[%mul3A_17] : memref<10240xf32, #tpu.memory_space<vmem_shared>> -> memref<640xf32, #tpu.memory_space<vmem_shared>>
      %dma_wait3A_32 = tpu.memref_slice %arg11[%mul3A_17] : memref<10240xf32, #tpu.memory_space<vmem_shared>> -> memref<640xf32, #tpu.memory_space<vmem_shared>>
      tpu.wait_dma2 semaphore(%run_scoped3A : memref<!tpu.dma_semaphore, #tpu.memory_space<semaphore_mem>>) src(%arg9 : memref<640xf32, #tpu.memory_space<vmem>>) dst(%dma_wait3A_32 : memref<640xf32, #tpu.memory_space<vmem_shared>>)
      tpu.yield
    }) : () -> ()
    %mul3A_18 = arith.constant 10240 : i32
    %mul3A_19 = arith.muli %add3A, %mul3A_18 : i32
    "tpu.region"() ({
      %run_scoped3A = tpu.sem_alloc : memref<!tpu.dma_semaphore, #tpu.memory_space<semaphore_mem>>
      %dma_start3A = tpu.memref_slice %arg2[%mul3A_19] : memref<327680xi32, #tpu.memory_space<hbm>> -> memref<10240xi32, #tpu.memory_space<hbm>>
      %dma_start3A_31 = tpu.memref_slice %arg2[%mul3A_19] : memref<327680xi32, #tpu.memory_space<hbm>> -> memref<10240xi32, #tpu.memory_space<hbm>>
      tpu.enqueue_dma source(%dma_start3A_31 : memref<10240xi32, #tpu.memory_space<hbm>>) target(%arg6 : memref<10240xi32, #tpu.memory_space<vmem>>) target_semaphore(%run_scoped3A : memref<!tpu.dma_semaphore, #tpu.memory_space<semaphore_mem>>)
      %dma_wait3A = tpu.memref_slice %arg2[%mul3A_19] : memref<327680xi32, #tpu.memory_space<hbm>> -> memref<10240xi32, #tpu.memory_space<hbm>>
      %dma_wait3A_32 = tpu.memref_slice %arg2[%mul3A_19] : memref<327680xi32, #tpu.memory_space<hbm>> -> memref<10240xi32, #tpu.memory_space<hbm>>
      tpu.wait_dma2 semaphore(%run_scoped3A : memref<!tpu.dma_semaphore, #tpu.memory_space<semaphore_mem>>) src(%dma_wait3A_32 : memref<10240xi32, #tpu.memory_space<hbm>>) dst(%arg6 : memref<10240xi32, #tpu.memory_space<vmem>>)
      tpu.yield
    }) : () -> ()
    %mul3A_20 = arith.constant 10240 : i32
    %mul3A_21 = arith.muli %add3A, %mul3A_20 : i32
    "tpu.region"() ({
      %run_scoped3A = tpu.sem_alloc : memref<!tpu.dma_semaphore, #tpu.memory_space<semaphore_mem>>
      %dma_start3A = tpu.memref_slice %arg3[%mul3A_21] : memref<327680xi32, #tpu.memory_space<hbm>> -> memref<10240xi32, #tpu.memory_space<hbm>>
      %dma_start3A_31 = tpu.memref_slice %arg3[%mul3A_21] : memref<327680xi32, #tpu.memory_space<hbm>> -> memref<10240xi32, #tpu.memory_space<hbm>>
      tpu.enqueue_dma source(%dma_start3A_31 : memref<10240xi32, #tpu.memory_space<hbm>>) target(%arg7 : memref<10240xi32, #tpu.memory_space<vmem>>) target_semaphore(%run_scoped3A : memref<!tpu.dma_semaphore, #tpu.memory_space<semaphore_mem>>)
      %dma_wait3A = tpu.memref_slice %arg3[%mul3A_21] : memref<327680xi32, #tpu.memory_space<hbm>> -> memref<10240xi32, #tpu.memory_space<hbm>>
      %dma_wait3A_32 = tpu.memref_slice %arg3[%mul3A_21] : memref<327680xi32, #tpu.memory_space<hbm>> -> memref<10240xi32, #tpu.memory_space<hbm>>
      tpu.wait_dma2 semaphore(%run_scoped3A : memref<!tpu.dma_semaphore, #tpu.memory_space<semaphore_mem>>) src(%dma_wait3A_32 : memref<10240xi32, #tpu.memory_space<hbm>>) dst(%arg7 : memref<10240xi32, #tpu.memory_space<vmem>>)
      tpu.yield
    }) : () -> ()
    %barrier3A = arith.constant 0 : index
    tpu.barrier barrier_id(%barrier3A)
    "tpu.region"() ({
      %run_scoped3A = tpu.sem_alloc : memref<!tpu.dma_semaphore, #tpu.memory_space<semaphore_mem>>
      %dma_start3A = arith.constant 0 : i32
      %dma_start3A_31 = tpu.memref_slice %arg10[%dma_start3A] : memref<10240xf32, #tpu.memory_space<vmem_shared>> -> memref<10240xf32, #tpu.memory_space<vmem_shared>>
      tpu.enqueue_indirect_dma source(%arg8 : memref<10240xf32, #tpu.memory_space<vmem>>) target(%dma_start3A_31 : memref<10240xf32, #tpu.memory_space<vmem_shared>>) offsets(%arg6 : memref<10240xi32, #tpu.memory_space<vmem>>) semaphore(%run_scoped3A : memref<!tpu.dma_semaphore, #tpu.memory_space<semaphore_mem>>) {add = true}
      %dma_wait3A = arith.constant 0 : i32
      %dma_wait3A_32 = tpu.memref_slice %arg10[%dma_wait3A] : memref<10240xf32, #tpu.memory_space<vmem_shared>> -> memref<10240xf32, #tpu.memory_space<vmem_shared>>
      tpu.wait_indirect_dma semaphore(%run_scoped3A : memref<!tpu.dma_semaphore, #tpu.memory_space<semaphore_mem>>) src(%arg8 : memref<10240xf32, #tpu.memory_space<vmem>>) dst(%dma_wait3A_32 : memref<10240xf32, #tpu.memory_space<vmem_shared>>)
      tpu.yield
    }) : () -> ()
    "tpu.region"() ({
      %run_scoped3A = tpu.sem_alloc : memref<!tpu.dma_semaphore, #tpu.memory_space<semaphore_mem>>
      %dma_start3A = arith.constant 0 : i32
      %dma_start3A_31 = tpu.memref_slice %arg11[%dma_start3A] : memref<10240xf32, #tpu.memory_space<vmem_shared>> -> memref<10240xf32, #tpu.memory_space<vmem_shared>>
      tpu.enqueue_indirect_dma source(%arg8 : memref<10240xf32, #tpu.memory_space<vmem>>) target(%dma_start3A_31 : memref<10240xf32, #tpu.memory_space<vmem_shared>>) offsets(%arg7 : memref<10240xi32, #tpu.memory_space<vmem>>) semaphore(%run_scoped3A : memref<!tpu.dma_semaphore, #tpu.memory_space<semaphore_mem>>) {add = true}
      %dma_wait3A = arith.constant 0 : i32
      %dma_wait3A_32 = tpu.memref_slice %arg11[%dma_wait3A] : memref<10240xf32, #tpu.memory_space<vmem_shared>> -> memref<10240xf32, #tpu.memory_space<vmem_shared>>
      tpu.wait_indirect_dma semaphore(%run_scoped3A : memref<!tpu.dma_semaphore, #tpu.memory_space<semaphore_mem>>) src(%arg8 : memref<10240xf32, #tpu.memory_space<vmem>>) dst(%dma_wait3A_32 : memref<10240xf32, #tpu.memory_space<vmem_shared>>)
      tpu.yield
    }) : () -> ()
    %barrier3A_22 = arith.constant 0 : index
    tpu.barrier barrier_id(%barrier3A_22)
    %mul3A_23 = arith.constant 640 : i32
    %mul3A_24 = arith.muli %arg1, %mul3A_23 : i32
    %mul3A_25 = arith.constant 640 : i32
    %mul3A_26 = arith.muli %arg1, %mul3A_25 : i32
    "tpu.region"() ({
      %run_scoped3A = tpu.sem_alloc : memref<!tpu.dma_semaphore, #tpu.memory_space<semaphore_mem>>
      %dma_start3A = tpu.memref_slice %arg4[%arg0, %mul3A_26] : memref<2x10240xf32, #tpu.memory_space<hbm>> -> memref<1x640xf32, #tpu.memory_space<hbm>>
      %dma_start3A_31 = tpu.memref_squeeze %dma_start3A : memref<1x640xf32, #tpu.memory_space<hbm>> -> memref<640xf32, #tpu.memory_space<hbm>>
      %dma_start3A_32 = tpu.memref_slice %arg10[%mul3A_24] : memref<10240xf32, #tpu.memory_space<vmem_shared>> -> memref<640xf32, #tpu.memory_space<vmem_shared>>
      tpu.enqueue_dma source(%dma_start3A_32 : memref<640xf32, #tpu.memory_space<vmem_shared>>) target(%dma_start3A_31 : memref<640xf32, #tpu.memory_space<hbm>>) target_semaphore(%run_scoped3A : memref<!tpu.dma_semaphore, #tpu.memory_space<semaphore_mem>>)
      %dma_wait3A = tpu.memref_slice %arg4[%arg0, %mul3A_26] : memref<2x10240xf32, #tpu.memory_space<hbm>> -> memref<1x640xf32, #tpu.memory_space<hbm>>
      %dma_wait3A_33 = tpu.memref_squeeze %dma_wait3A : memref<1x640xf32, #tpu.memory_space<hbm>> -> memref<640xf32, #tpu.memory_space<hbm>>
      %dma_wait3A_34 = tpu.memref_slice %arg10[%mul3A_24] : memref<10240xf32, #tpu.memory_space<vmem_shared>> -> memref<640xf32, #tpu.memory_space<vmem_shared>>
      tpu.wait_dma2 semaphore(%run_scoped3A : memref<!tpu.dma_semaphore, #tpu.memory_space<semaphore_mem>>) src(%dma_wait3A_34 : memref<640xf32, #tpu.memory_space<vmem_shared>>) dst(%dma_wait3A_33 : memref<640xf32, #tpu.memory_space<hbm>>)
      tpu.yield
    }) : () -> ()
    %mul3A_27 = arith.constant 640 : i32
    %mul3A_28 = arith.muli %arg1, %mul3A_27 : i32
    %mul3A_29 = arith.constant 640 : i32
    %mul3A_30 = arith.muli %arg1, %mul3A_29 : i32
    "tpu.region"() ({
      %run_scoped3A = tpu.sem_alloc : memref<!tpu.dma_semaphore, #tpu.memory_space<semaphore_mem>>
      %dma_start3A = tpu.memref_slice %arg5[%arg0, %mul3A_30] : memref<2x10240xf32, #tpu.memory_space<hbm>> -> memref<1x640xf32, #tpu.memory_space<hbm>>
      %dma_start3A_31 = tpu.memref_squeeze %dma_start3A : memref<1x640xf32, #tpu.memory_space<hbm>> -> memref<640xf32, #tpu.memory_space<hbm>>
      %dma_start3A_32 = tpu.memref_slice %arg11[%mul3A_28] : memref<10240xf32, #tpu.memory_space<vmem_shared>> -> memref<640xf32, #tpu.memory_space<vmem_shared>>
      tpu.enqueue_dma source(%dma_start3A_32 : memref<640xf32, #tpu.memory_space<vmem_shared>>) target(%dma_start3A_31 : memref<640xf32, #tpu.memory_space<hbm>>) target_semaphore(%run_scoped3A : memref<!tpu.dma_semaphore, #tpu.memory_space<semaphore_mem>>)
      %dma_wait3A = tpu.memref_slice %arg5[%arg0, %mul3A_30] : memref<2x10240xf32, #tpu.memory_space<hbm>> -> memref<1x640xf32, #tpu.memory_space<hbm>>
      %dma_wait3A_33 = tpu.memref_squeeze %dma_wait3A : memref<1x640xf32, #tpu.memory_space<hbm>> -> memref<640xf32, #tpu.memory_space<hbm>>
      %dma_wait3A_34 = tpu.memref_slice %arg11[%mul3A_28] : memref<10240xf32, #tpu.memory_space<vmem_shared>> -> memref<640xf32, #tpu.memory_space<vmem_shared>>
      tpu.wait_dma2 semaphore(%run_scoped3A : memref<!tpu.dma_semaphore, #tpu.memory_space<semaphore_mem>>) src(%dma_wait3A_34 : memref<640xf32, #tpu.memory_space<vmem_shared>>) dst(%dma_wait3A_33 : memref<640xf32, #tpu.memory_space<hbm>>)
      tpu.yield
    }) : () -> ()
    return
  }
}

#map = affine_map<(d0, d1) -> (0, 0)>
#map1 = affine_map<(d0, d1) -> (0, 0, 0)>
module attributes {stable_mosaic.version = 14 : i64} {
  func.func @_agg_body(%arg0: i32, %arg1: i32, %arg2: memref<10240x128xf32, #tpu.memory_space<hbm>>, %arg3: memref<2560x128xi32, #tpu.memory_space<hbm>>, %arg4: memref<2560x128xi32, #tpu.memory_space<hbm>>, %arg5: memref<2x10240x128xf32, #tpu.memory_space<hbm>>, %arg6: memref<40x128xi32, #tpu.memory_space<vmem>>, %arg7: memref<40x128xi32, #tpu.memory_space<vmem>>, %arg8: memref<2x128x128xf32, #tpu.memory_space<vmem>>, %arg9: memref<!tpu.dma_semaphore, #tpu.memory_space<semaphore_mem>>, %arg10: memref<!tpu.dma_semaphore, #tpu.memory_space<semaphore_mem>>, %arg11: memref<10240x128xf32, #tpu.memory_space<vmem_shared>>) attributes {dimension_semantics = [#tpu.dimension_semantics<core_parallel>, #tpu.dimension_semantics<subcore_parallel>], iteration_bounds = array<i64: 2, 16>, scalar_prefetch = 0 : i64, scratch_operands = 6 : i64, tpu.core_type = #tpu.core_type<sc_vector_subcore>, window_params = [{transform_indices = #map}, {transform_indices = #map}, {transform_indices = #map}, {transform_indices = #map1}]} {
    %mul3A = arith.constant 2 : i32
    %mul3A_0 = arith.muli %arg1, %mul3A : i32
    %add3A = arith.addi %mul3A_0, %arg0 : i32
    %scan3A = arith.constant 0 : i32
    %scan3A_1 = arith.constant 0 : i32
    %scan3A_2 = arith.constant 128 : i32
    %scan3A_3 = arith.addi %scan3A_1, %scan3A_2 : i32
    %scan3A_4 = arith.constant 1 : i32
    %scan3A_5 = scf.for %scan3A_105 = %scan3A_1 to %scan3A_3 step %scan3A_4 iter_args(%scan3A_106 = %scan3A) -> (i32)  : i32 {
      %broadcast_in_dim3A = arith.constant 0.000000e+00 : f32
      %broadcast_in_dim3A_107 = vector.broadcast %broadcast_in_dim3A : f32 to vector<16xf32>
      %swap3A = arith.constant 0 : i32
      %swap3A_108 = arith.index_cast %swap3A : i32 to index
      %swap3A_109 = arith.index_cast %scan3A_105 : i32 to index
      %swap3A_110 = arith.constant 0 : index
      %swap3A_111 = tpu.vector_load %arg8[%swap3A_108, %swap3A_109, %swap3A_110] {strides = array<i32>} : memref<2x128x128xf32, #tpu.memory_space<vmem>>, vector<1x1x16xf32>,
      %swap3A_112 = vector.shape_cast %swap3A_111 : vector<1x1x16xf32> to vector<16xf32>
      %swap3A_113 = vector.shape_cast %broadcast_in_dim3A_107 : vector<16xf32> to vector<1x1x16xf32>
      tpu.vector_store %arg8[%swap3A_108, %swap3A_109, %swap3A_110], %swap3A_113 {strides = array<i32>} : memref<2x128x128xf32, #tpu.memory_space<vmem>>, vector<1x1x16xf32>,
      %broadcast_in_dim3A_114 = arith.constant 0.000000e+00 : f32
      %broadcast_in_dim3A_115 = vector.broadcast %broadcast_in_dim3A_114 : f32 to vector<16xf32>
      %swap3A_116 = arith.constant 0 : i32
      %swap3A_117 = arith.index_cast %swap3A_116 : i32 to index
      %swap3A_118 = arith.index_cast %scan3A_105 : i32 to index
      %swap3A_119 = arith.constant 16 : index
      %swap3A_120 = tpu.vector_load %arg8[%swap3A_117, %swap3A_118, %swap3A_119] {strides = array<i32>} : memref<2x128x128xf32, #tpu.memory_space<vmem>>, vector<1x1x16xf32>,
      %swap3A_121 = vector.shape_cast %swap3A_120 : vector<1x1x16xf32> to vector<16xf32>
      %swap3A_122 = vector.shape_cast %broadcast_in_dim3A_115 : vector<16xf32> to vector<1x1x16xf32>
      tpu.vector_store %arg8[%swap3A_117, %swap3A_118, %swap3A_119], %swap3A_122 {strides = array<i32>} : memref<2x128x128xf32, #tpu.memory_space<vmem>>, vector<1x1x16xf32>,
      %broadcast_in_dim3A_123 = arith.constant 0.000000e+00 : f32
      %broadcast_in_dim3A_124 = vector.broadcast %broadcast_in_dim3A_123 : f32 to vector<16xf32>
      %swap3A_125 = arith.constant 0 : i32
      %swap3A_126 = arith.index_cast %swap3A_125 : i32 to index
      %swap3A_127 = arith.index_cast %scan3A_105 : i32 to index
      %swap3A_128 = arith.constant 32 : index
      %swap3A_129 = tpu.vector_load %arg8[%swap3A_126, %swap3A_127, %swap3A_128] {strides = array<i32>} : memref<2x128x128xf32, #tpu.memory_space<vmem>>, vector<1x1x16xf32>,
      %swap3A_130 = vector.shape_cast %swap3A_129 : vector<1x1x16xf32> to vector<16xf32>
      %swap3A_131 = vector.shape_cast %broadcast_in_dim3A_124 : vector<16xf32> to vector<1x1x16xf32>
      tpu.vector_store %arg8[%swap3A_126, %swap3A_127, %swap3A_128], %swap3A_131 {strides = array<i32>} : memref<2x128x128xf32, #tpu.memory_space<vmem>>, vector<1x1x16xf32>,
      %broadcast_in_dim3A_132 = arith.constant 0.000000e+00 : f32
      %broadcast_in_dim3A_133 = vector.broadcast %broadcast_in_dim3A_132 : f32 to vector<16xf32>
      %swap3A_134 = arith.constant 0 : i32
      %swap3A_135 = arith.index_cast %swap3A_134 : i32 to index
      %swap3A_136 = arith.index_cast %scan3A_105 : i32 to index
      %swap3A_137 = arith.constant 48 : index
      %swap3A_138 = tpu.vector_load %arg8[%swap3A_135, %swap3A_136, %swap3A_137] {strides = array<i32>} : memref<2x128x128xf32, #tpu.memory_space<vmem>>, vector<1x1x16xf32>,
      %swap3A_139 = vector.shape_cast %swap3A_138 : vector<1x1x16xf32> to vector<16xf32>
      %swap3A_140 = vector.shape_cast %broadcast_in_dim3A_133 : vector<16xf32> to vector<1x1x16xf32>
      tpu.vector_store %arg8[%swap3A_135, %swap3A_136, %swap3A_137], %swap3A_140 {strides = array<i32>} : memref<2x128x128xf32, #tpu.memory_space<vmem>>, vector<1x1x16xf32>,
      %broadcast_in_dim3A_141 = arith.constant 0.000000e+00 : f32
      %broadcast_in_dim3A_142 = vector.broadcast %broadcast_in_dim3A_141 : f32 to vector<16xf32>
      %swap3A_143 = arith.constant 0 : i32
      %swap3A_144 = arith.index_cast %swap3A_143 : i32 to index
      %swap3A_145 = arith.index_cast %scan3A_105 : i32 to index
      %swap3A_146 = arith.constant 64 : index
      %swap3A_147 = tpu.vector_load %arg8[%swap3A_144, %swap3A_145, %swap3A_146] {strides = array<i32>} : memref<2x128x128xf32, #tpu.memory_space<vmem>>, vector<1x1x16xf32>,
      %swap3A_148 = vector.shape_cast %swap3A_147 : vector<1x1x16xf32> to vector<16xf32>
      %swap3A_149 = vector.shape_cast %broadcast_in_dim3A_142 : vector<16xf32> to vector<1x1x16xf32>
      tpu.vector_store %arg8[%swap3A_144, %swap3A_145, %swap3A_146], %swap3A_149 {strides = array<i32>} : memref<2x128x128xf32, #tpu.memory_space<vmem>>, vector<1x1x16xf32>,
      %broadcast_in_dim3A_150 = arith.constant 0.000000e+00 : f32
      %broadcast_in_dim3A_151 = vector.broadcast %broadcast_in_dim3A_150 : f32 to vector<16xf32>
      %swap3A_152 = arith.constant 0 : i32
      %swap3A_153 = arith.index_cast %swap3A_152 : i32 to index
      %swap3A_154 = arith.index_cast %scan3A_105 : i32 to index
      %swap3A_155 = arith.constant 80 : index
      %swap3A_156 = tpu.vector_load %arg8[%swap3A_153, %swap3A_154, %swap3A_155] {strides = array<i32>} : memref<2x128x128xf32, #tpu.memory_space<vmem>>, vector<1x1x16xf32>,
      %swap3A_157 = vector.shape_cast %swap3A_156 : vector<1x1x16xf32> to vector<16xf32>
      %swap3A_158 = vector.shape_cast %broadcast_in_dim3A_151 : vector<16xf32> to vector<1x1x16xf32>
      tpu.vector_store %arg8[%swap3A_153, %swap3A_154, %swap3A_155], %swap3A_158 {strides = array<i32>} : memref<2x128x128xf32, #tpu.memory_space<vmem>>, vector<1x1x16xf32>,
      %broadcast_in_dim3A_159 = arith.constant 0.000000e+00 : f32
      %broadcast_in_dim3A_160 = vector.broadcast %broadcast_in_dim3A_159 : f32 to vector<16xf32>
      %swap3A_161 = arith.constant 0 : i32
      %swap3A_162 = arith.index_cast %swap3A_161 : i32 to index
      %swap3A_163 = arith.index_cast %scan3A_105 : i32 to index
      %swap3A_164 = arith.constant 96 : index
      %swap3A_165 = tpu.vector_load %arg8[%swap3A_162, %swap3A_163, %swap3A_164] {strides = array<i32>} : memref<2x128x128xf32, #tpu.memory_space<vmem>>, vector<1x1x16xf32>,
      %swap3A_166 = vector.shape_cast %swap3A_165 : vector<1x1x16xf32> to vector<16xf32>
      %swap3A_167 = vector.shape_cast %broadcast_in_dim3A_160 : vector<16xf32> to vector<1x1x16xf32>
      tpu.vector_store %arg8[%swap3A_162, %swap3A_163, %swap3A_164], %swap3A_167 {strides = array<i32>} : memref<2x128x128xf32, #tpu.memory_space<vmem>>, vector<1x1x16xf32>,
      %broadcast_in_dim3A_168 = arith.constant 0.000000e+00 : f32
      %broadcast_in_dim3A_169 = vector.broadcast %broadcast_in_dim3A_168 : f32 to vector<16xf32>
      %swap3A_170 = arith.constant 0 : i32
      %swap3A_171 = arith.index_cast %swap3A_170 : i32 to index
      %swap3A_172 = arith.index_cast %scan3A_105 : i32 to index
      %swap3A_173 = arith.constant 112 : index
      %swap3A_174 = tpu.vector_load %arg8[%swap3A_171, %swap3A_172, %swap3A_173] {strides = array<i32>} : memref<2x128x128xf32, #tpu.memory_space<vmem>>, vector<1x1x16xf32>,
      %swap3A_175 = vector.shape_cast %swap3A_174 : vector<1x1x16xf32> to vector<16xf32>
      %swap3A_176 = vector.shape_cast %broadcast_in_dim3A_169 : vector<16xf32> to vector<1x1x16xf32>
      tpu.vector_store %arg8[%swap3A_171, %swap3A_172, %swap3A_173], %swap3A_176 {strides = array<i32>} : memref<2x128x128xf32, #tpu.memory_space<vmem>>, vector<1x1x16xf32>,
      %scan3A_177 = arith.constant 0 : i32
      scf.yield %scan3A_177 : i32
    }
    %scan3A_6 = arith.constant 128 : i32
    %mul3A_7 = arith.constant 640 : i32
    %mul3A_8 = arith.muli %arg1, %mul3A_7 : i32
    %add3A_9 = arith.constant 0 : i32
    %add3A_10 = arith.addi %mul3A_8, %add3A_9 : i32
    %run_scoped3A = arith.constant 0 : i32
    "tpu.region"() ({
      %run_scoped3A_105 = tpu.sem_alloc : memref<!tpu.dma_semaphore, #tpu.memory_space<semaphore_mem>>
      %dma_start3A_106 = arith.constant 0 : i32
      %dma_start3A_107 = arith.constant 0 : i32
      %dma_start3A_108 = tpu.memref_slice %arg8[%run_scoped3A, %dma_start3A_106, %dma_start3A_107] : memref<2x128x128xf32, #tpu.memory_space<vmem>> -> memref<1x128x128xf32, #tpu.memory_space<vmem>>
      %dma_start3A_109 = tpu.memref_squeeze %dma_start3A_108 : memref<1x128x128xf32, #tpu.memory_space<vmem>> -> memref<128x128xf32, #tpu.memory_space<vmem>>
      %dma_start3A_110 = arith.constant 0 : i32
      %dma_start3A_111 = tpu.memref_slice %arg11[%add3A_10, %dma_start3A_110] : memref<10240x128xf32, #tpu.memory_space<vmem_shared>> -> memref<128x128xf32, #tpu.memory_space<vmem_shared>>
      %dma_start3A_112 = arith.constant 0 : i32
      %dma_start3A_113 = tpu.memref_slice %arg11[%add3A_10, %dma_start3A_112] : memref<10240x128xf32, #tpu.memory_space<vmem_shared>> -> memref<128x128xf32, #tpu.memory_space<vmem_shared>>
      %dma_start3A_114 = arith.constant 0 : i32
      %dma_start3A_115 = arith.constant 0 : i32
      %dma_start3A_116 = tpu.memref_slice %arg8[%run_scoped3A, %dma_start3A_114, %dma_start3A_115] : memref<2x128x128xf32, #tpu.memory_space<vmem>> -> memref<1x128x128xf32, #tpu.memory_space<vmem>>
      %dma_start3A_117 = tpu.memref_squeeze %dma_start3A_116 : memref<1x128x128xf32, #tpu.memory_space<vmem>> -> memref<128x128xf32, #tpu.memory_space<vmem>>
      tpu.enqueue_dma source(%dma_start3A_117 : memref<128x128xf32, #tpu.memory_space<vmem>>) target(%dma_start3A_113 : memref<128x128xf32, #tpu.memory_space<vmem_shared>>) target_semaphore(%run_scoped3A_105 : memref<!tpu.dma_semaphore, #tpu.memory_space<semaphore_mem>>)
      %dma_wait3A = arith.constant 0 : i32
      %dma_wait3A_118 = arith.constant 0 : i32
      %dma_wait3A_119 = tpu.memref_slice %arg8[%run_scoped3A, %dma_wait3A, %dma_wait3A_118] : memref<2x128x128xf32, #tpu.memory_space<vmem>> -> memref<1x128x128xf32, #tpu.memory_space<vmem>>
      %dma_wait3A_120 = tpu.memref_squeeze %dma_wait3A_119 : memref<1x128x128xf32, #tpu.memory_space<vmem>> -> memref<128x128xf32, #tpu.memory_space<vmem>>
      %dma_wait3A_121 = arith.constant 0 : i32
      %dma_wait3A_122 = tpu.memref_slice %arg11[%add3A_10, %dma_wait3A_121] : memref<10240x128xf32, #tpu.memory_space<vmem_shared>> -> memref<128x128xf32, #tpu.memory_space<vmem_shared>>
      %dma_wait3A_123 = arith.constant 0 : i32
      %dma_wait3A_124 = tpu.memref_slice %arg11[%add3A_10, %dma_wait3A_123] : memref<10240x128xf32, #tpu.memory_space<vmem_shared>> -> memref<128x128xf32, #tpu.memory_space<vmem_shared>>
      %dma_wait3A_125 = arith.constant 0 : i32
      %dma_wait3A_126 = arith.constant 0 : i32
      %dma_wait3A_127 = tpu.memref_slice %arg8[%run_scoped3A, %dma_wait3A_125, %dma_wait3A_126] : memref<2x128x128xf32, #tpu.memory_space<vmem>> -> memref<1x128x128xf32, #tpu.memory_space<vmem>>
      %dma_wait3A_128 = tpu.memref_squeeze %dma_wait3A_127 : memref<1x128x128xf32, #tpu.memory_space<vmem>> -> memref<128x128xf32, #tpu.memory_space<vmem>>
      tpu.wait_dma2 semaphore(%run_scoped3A_105 : memref<!tpu.dma_semaphore, #tpu.memory_space<semaphore_mem>>) src(%dma_wait3A_128 : memref<128x128xf32, #tpu.memory_space<vmem>>) dst(%dma_wait3A_124 : memref<128x128xf32, #tpu.memory_space<vmem_shared>>)
      tpu.yield
    }) : () -> ()
    %mul3A_11 = arith.constant 640 : i32
    %mul3A_12 = arith.muli %arg1, %mul3A_11 : i32
    %add3A_13 = arith.constant 128 : i32
    %add3A_14 = arith.addi %mul3A_12, %add3A_13 : i32
    %run_scoped3A_15 = arith.constant 0 : i32
    "tpu.region"() ({
      %run_scoped3A_105 = tpu.sem_alloc : memref<!tpu.dma_semaphore, #tpu.memory_space<semaphore_mem>>
      %dma_start3A_106 = arith.constant 0 : i32
      %dma_start3A_107 = arith.constant 0 : i32
      %dma_start3A_108 = tpu.memref_slice %arg8[%run_scoped3A_15, %dma_start3A_106, %dma_start3A_107] : memref<2x128x128xf32, #tpu.memory_space<vmem>> -> memref<1x128x128xf32, #tpu.memory_space<vmem>>
      %dma_start3A_109 = tpu.memref_squeeze %dma_start3A_108 : memref<1x128x128xf32, #tpu.memory_space<vmem>> -> memref<128x128xf32, #tpu.memory_space<vmem>>
      %dma_start3A_110 = arith.constant 0 : i32
      %dma_start3A_111 = tpu.memref_slice %arg11[%add3A_14, %dma_start3A_110] : memref<10240x128xf32, #tpu.memory_space<vmem_shared>> -> memref<128x128xf32, #tpu.memory_space<vmem_shared>>
      %dma_start3A_112 = arith.constant 0 : i32
      %dma_start3A_113 = tpu.memref_slice %arg11[%add3A_14, %dma_start3A_112] : memref<10240x128xf32, #tpu.memory_space<vmem_shared>> -> memref<128x128xf32, #tpu.memory_space<vmem_shared>>
      %dma_start3A_114 = arith.constant 0 : i32
      %dma_start3A_115 = arith.constant 0 : i32
      %dma_start3A_116 = tpu.memref_slice %arg8[%run_scoped3A_15, %dma_start3A_114, %dma_start3A_115] : memref<2x128x128xf32, #tpu.memory_space<vmem>> -> memref<1x128x128xf32, #tpu.memory_space<vmem>>
      %dma_start3A_117 = tpu.memref_squeeze %dma_start3A_116 : memref<1x128x128xf32, #tpu.memory_space<vmem>> -> memref<128x128xf32, #tpu.memory_space<vmem>>
      tpu.enqueue_dma source(%dma_start3A_117 : memref<128x128xf32, #tpu.memory_space<vmem>>) target(%dma_start3A_113 : memref<128x128xf32, #tpu.memory_space<vmem_shared>>) target_semaphore(%run_scoped3A_105 : memref<!tpu.dma_semaphore, #tpu.memory_space<semaphore_mem>>)
      %dma_wait3A = arith.constant 0 : i32
      %dma_wait3A_118 = arith.constant 0 : i32
      %dma_wait3A_119 = tpu.memref_slice %arg8[%run_scoped3A_15, %dma_wait3A, %dma_wait3A_118] : memref<2x128x128xf32, #tpu.memory_space<vmem>> -> memref<1x128x128xf32, #tpu.memory_space<vmem>>
      %dma_wait3A_120 = tpu.memref_squeeze %dma_wait3A_119 : memref<1x128x128xf32, #tpu.memory_space<vmem>> -> memref<128x128xf32, #tpu.memory_space<vmem>>
      %dma_wait3A_121 = arith.constant 0 : i32
      %dma_wait3A_122 = tpu.memref_slice %arg11[%add3A_14, %dma_wait3A_121] : memref<10240x128xf32, #tpu.memory_space<vmem_shared>> -> memref<128x128xf32, #tpu.memory_space<vmem_shared>>
      %dma_wait3A_123 = arith.constant 0 : i32
      %dma_wait3A_124 = tpu.memref_slice %arg11[%add3A_14, %dma_wait3A_123] : memref<10240x128xf32, #tpu.memory_space<vmem_shared>> -> memref<128x128xf32, #tpu.memory_space<vmem_shared>>
      %dma_wait3A_125 = arith.constant 0 : i32
      %dma_wait3A_126 = arith.constant 0 : i32
      %dma_wait3A_127 = tpu.memref_slice %arg8[%run_scoped3A_15, %dma_wait3A_125, %dma_wait3A_126] : memref<2x128x128xf32, #tpu.memory_space<vmem>> -> memref<1x128x128xf32, #tpu.memory_space<vmem>>
      %dma_wait3A_128 = tpu.memref_squeeze %dma_wait3A_127 : memref<1x128x128xf32, #tpu.memory_space<vmem>> -> memref<128x128xf32, #tpu.memory_space<vmem>>
      tpu.wait_dma2 semaphore(%run_scoped3A_105 : memref<!tpu.dma_semaphore, #tpu.memory_space<semaphore_mem>>) src(%dma_wait3A_128 : memref<128x128xf32, #tpu.memory_space<vmem>>) dst(%dma_wait3A_124 : memref<128x128xf32, #tpu.memory_space<vmem_shared>>)
      tpu.yield
    }) : () -> ()
    %mul3A_16 = arith.constant 640 : i32
    %mul3A_17 = arith.muli %arg1, %mul3A_16 : i32
    %add3A_18 = arith.constant 256 : i32
    %add3A_19 = arith.addi %mul3A_17, %add3A_18 : i32
    %run_scoped3A_20 = arith.constant 0 : i32
    "tpu.region"() ({
      %run_scoped3A_105 = tpu.sem_alloc : memref<!tpu.dma_semaphore, #tpu.memory_space<semaphore_mem>>
      %dma_start3A_106 = arith.constant 0 : i32
      %dma_start3A_107 = arith.constant 0 : i32
      %dma_start3A_108 = tpu.memref_slice %arg8[%run_scoped3A_20, %dma_start3A_106, %dma_start3A_107] : memref<2x128x128xf32, #tpu.memory_space<vmem>> -> memref<1x128x128xf32, #tpu.memory_space<vmem>>
      %dma_start3A_109 = tpu.memref_squeeze %dma_start3A_108 : memref<1x128x128xf32, #tpu.memory_space<vmem>> -> memref<128x128xf32, #tpu.memory_space<vmem>>
      %dma_start3A_110 = arith.constant 0 : i32
      %dma_start3A_111 = tpu.memref_slice %arg11[%add3A_19, %dma_start3A_110] : memref<10240x128xf32, #tpu.memory_space<vmem_shared>> -> memref<128x128xf32, #tpu.memory_space<vmem_shared>>
      %dma_start3A_112 = arith.constant 0 : i32
      %dma_start3A_113 = tpu.memref_slice %arg11[%add3A_19, %dma_start3A_112] : memref<10240x128xf32, #tpu.memory_space<vmem_shared>> -> memref<128x128xf32, #tpu.memory_space<vmem_shared>>
      %dma_start3A_114 = arith.constant 0 : i32
      %dma_start3A_115 = arith.constant 0 : i32
      %dma_start3A_116 = tpu.memref_slice %arg8[%run_scoped3A_20, %dma_start3A_114, %dma_start3A_115] : memref<2x128x128xf32, #tpu.memory_space<vmem>> -> memref<1x128x128xf32, #tpu.memory_space<vmem>>
      %dma_start3A_117 = tpu.memref_squeeze %dma_start3A_116 : memref<1x128x128xf32, #tpu.memory_space<vmem>> -> memref<128x128xf32, #tpu.memory_space<vmem>>
      tpu.enqueue_dma source(%dma_start3A_117 : memref<128x128xf32, #tpu.memory_space<vmem>>) target(%dma_start3A_113 : memref<128x128xf32, #tpu.memory_space<vmem_shared>>) target_semaphore(%run_scoped3A_105 : memref<!tpu.dma_semaphore, #tpu.memory_space<semaphore_mem>>)
      %dma_wait3A = arith.constant 0 : i32
      %dma_wait3A_118 = arith.constant 0 : i32
      %dma_wait3A_119 = tpu.memref_slice %arg8[%run_scoped3A_20, %dma_wait3A, %dma_wait3A_118] : memref<2x128x128xf32, #tpu.memory_space<vmem>> -> memref<1x128x128xf32, #tpu.memory_space<vmem>>
      %dma_wait3A_120 = tpu.memref_squeeze %dma_wait3A_119 : memref<1x128x128xf32, #tpu.memory_space<vmem>> -> memref<128x128xf32, #tpu.memory_space<vmem>>
      %dma_wait3A_121 = arith.constant 0 : i32
      %dma_wait3A_122 = tpu.memref_slice %arg11[%add3A_19, %dma_wait3A_121] : memref<10240x128xf32, #tpu.memory_space<vmem_shared>> -> memref<128x128xf32, #tpu.memory_space<vmem_shared>>
      %dma_wait3A_123 = arith.constant 0 : i32
      %dma_wait3A_124 = tpu.memref_slice %arg11[%add3A_19, %dma_wait3A_123] : memref<10240x128xf32, #tpu.memory_space<vmem_shared>> -> memref<128x128xf32, #tpu.memory_space<vmem_shared>>
      %dma_wait3A_125 = arith.constant 0 : i32
      %dma_wait3A_126 = arith.constant 0 : i32
      %dma_wait3A_127 = tpu.memref_slice %arg8[%run_scoped3A_20, %dma_wait3A_125, %dma_wait3A_126] : memref<2x128x128xf32, #tpu.memory_space<vmem>> -> memref<1x128x128xf32, #tpu.memory_space<vmem>>
      %dma_wait3A_128 = tpu.memref_squeeze %dma_wait3A_127 : memref<1x128x128xf32, #tpu.memory_space<vmem>> -> memref<128x128xf32, #tpu.memory_space<vmem>>
      tpu.wait_dma2 semaphore(%run_scoped3A_105 : memref<!tpu.dma_semaphore, #tpu.memory_space<semaphore_mem>>) src(%dma_wait3A_128 : memref<128x128xf32, #tpu.memory_space<vmem>>) dst(%dma_wait3A_124 : memref<128x128xf32, #tpu.memory_space<vmem_shared>>)
      tpu.yield
    }) : () -> ()
    %mul3A_21 = arith.constant 640 : i32
    %mul3A_22 = arith.muli %arg1, %mul3A_21 : i32
    %add3A_23 = arith.constant 384 : i32
    %add3A_24 = arith.addi %mul3A_22, %add3A_23 : i32
    %run_scoped3A_25 = arith.constant 0 : i32
    "tpu.region"() ({
      %run_scoped3A_105 = tpu.sem_alloc : memref<!tpu.dma_semaphore, #tpu.memory_space<semaphore_mem>>
      %dma_start3A_106 = arith.constant 0 : i32
      %dma_start3A_107 = arith.constant 0 : i32
      %dma_start3A_108 = tpu.memref_slice %arg8[%run_scoped3A_25, %dma_start3A_106, %dma_start3A_107] : memref<2x128x128xf32, #tpu.memory_space<vmem>> -> memref<1x128x128xf32, #tpu.memory_space<vmem>>
      %dma_start3A_109 = tpu.memref_squeeze %dma_start3A_108 : memref<1x128x128xf32, #tpu.memory_space<vmem>> -> memref<128x128xf32, #tpu.memory_space<vmem>>
      %dma_start3A_110 = arith.constant 0 : i32
      %dma_start3A_111 = tpu.memref_slice %arg11[%add3A_24, %dma_start3A_110] : memref<10240x128xf32, #tpu.memory_space<vmem_shared>> -> memref<128x128xf32, #tpu.memory_space<vmem_shared>>
      %dma_start3A_112 = arith.constant 0 : i32
      %dma_start3A_113 = tpu.memref_slice %arg11[%add3A_24, %dma_start3A_112] : memref<10240x128xf32, #tpu.memory_space<vmem_shared>> -> memref<128x128xf32, #tpu.memory_space<vmem_shared>>
      %dma_start3A_114 = arith.constant 0 : i32
      %dma_start3A_115 = arith.constant 0 : i32
      %dma_start3A_116 = tpu.memref_slice %arg8[%run_scoped3A_25, %dma_start3A_114, %dma_start3A_115] : memref<2x128x128xf32, #tpu.memory_space<vmem>> -> memref<1x128x128xf32, #tpu.memory_space<vmem>>
      %dma_start3A_117 = tpu.memref_squeeze %dma_start3A_116 : memref<1x128x128xf32, #tpu.memory_space<vmem>> -> memref<128x128xf32, #tpu.memory_space<vmem>>
      tpu.enqueue_dma source(%dma_start3A_117 : memref<128x128xf32, #tpu.memory_space<vmem>>) target(%dma_start3A_113 : memref<128x128xf32, #tpu.memory_space<vmem_shared>>) target_semaphore(%run_scoped3A_105 : memref<!tpu.dma_semaphore, #tpu.memory_space<semaphore_mem>>)
      %dma_wait3A = arith.constant 0 : i32
      %dma_wait3A_118 = arith.constant 0 : i32
      %dma_wait3A_119 = tpu.memref_slice %arg8[%run_scoped3A_25, %dma_wait3A, %dma_wait3A_118] : memref<2x128x128xf32, #tpu.memory_space<vmem>> -> memref<1x128x128xf32, #tpu.memory_space<vmem>>
      %dma_wait3A_120 = tpu.memref_squeeze %dma_wait3A_119 : memref<1x128x128xf32, #tpu.memory_space<vmem>> -> memref<128x128xf32, #tpu.memory_space<vmem>>
      %dma_wait3A_121 = arith.constant 0 : i32
      %dma_wait3A_122 = tpu.memref_slice %arg11[%add3A_24, %dma_wait3A_121] : memref<10240x128xf32, #tpu.memory_space<vmem_shared>> -> memref<128x128xf32, #tpu.memory_space<vmem_shared>>
      %dma_wait3A_123 = arith.constant 0 : i32
      %dma_wait3A_124 = tpu.memref_slice %arg11[%add3A_24, %dma_wait3A_123] : memref<10240x128xf32, #tpu.memory_space<vmem_shared>> -> memref<128x128xf32, #tpu.memory_space<vmem_shared>>
      %dma_wait3A_125 = arith.constant 0 : i32
      %dma_wait3A_126 = arith.constant 0 : i32
      %dma_wait3A_127 = tpu.memref_slice %arg8[%run_scoped3A_25, %dma_wait3A_125, %dma_wait3A_126] : memref<2x128x128xf32, #tpu.memory_space<vmem>> -> memref<1x128x128xf32, #tpu.memory_space<vmem>>
      %dma_wait3A_128 = tpu.memref_squeeze %dma_wait3A_127 : memref<1x128x128xf32, #tpu.memory_space<vmem>> -> memref<128x128xf32, #tpu.memory_space<vmem>>
      tpu.wait_dma2 semaphore(%run_scoped3A_105 : memref<!tpu.dma_semaphore, #tpu.memory_space<semaphore_mem>>) src(%dma_wait3A_128 : memref<128x128xf32, #tpu.memory_space<vmem>>) dst(%dma_wait3A_124 : memref<128x128xf32, #tpu.memory_space<vmem_shared>>)
      tpu.yield
    }) : () -> ()
    %mul3A_26 = arith.constant 640 : i32
    %mul3A_27 = arith.muli %arg1, %mul3A_26 : i32
    %add3A_28 = arith.constant 512 : i32
    %add3A_29 = arith.addi %mul3A_27, %add3A_28 : i32
    %run_scoped3A_30 = arith.constant 0 : i32
    "tpu.region"() ({
      %run_scoped3A_105 = tpu.sem_alloc : memref<!tpu.dma_semaphore, #tpu.memory_space<semaphore_mem>>
      %dma_start3A_106 = arith.constant 0 : i32
      %dma_start3A_107 = arith.constant 0 : i32
      %dma_start3A_108 = tpu.memref_slice %arg8[%run_scoped3A_30, %dma_start3A_106, %dma_start3A_107] : memref<2x128x128xf32, #tpu.memory_space<vmem>> -> memref<1x128x128xf32, #tpu.memory_space<vmem>>
      %dma_start3A_109 = tpu.memref_squeeze %dma_start3A_108 : memref<1x128x128xf32, #tpu.memory_space<vmem>> -> memref<128x128xf32, #tpu.memory_space<vmem>>
      %dma_start3A_110 = arith.constant 0 : i32
      %dma_start3A_111 = tpu.memref_slice %arg11[%add3A_29, %dma_start3A_110] : memref<10240x128xf32, #tpu.memory_space<vmem_shared>> -> memref<128x128xf32, #tpu.memory_space<vmem_shared>>
      %dma_start3A_112 = arith.constant 0 : i32
      %dma_start3A_113 = tpu.memref_slice %arg11[%add3A_29, %dma_start3A_112] : memref<10240x128xf32, #tpu.memory_space<vmem_shared>> -> memref<128x128xf32, #tpu.memory_space<vmem_shared>>
      %dma_start3A_114 = arith.constant 0 : i32
      %dma_start3A_115 = arith.constant 0 : i32
      %dma_start3A_116 = tpu.memref_slice %arg8[%run_scoped3A_30, %dma_start3A_114, %dma_start3A_115] : memref<2x128x128xf32, #tpu.memory_space<vmem>> -> memref<1x128x128xf32, #tpu.memory_space<vmem>>
      %dma_start3A_117 = tpu.memref_squeeze %dma_start3A_116 : memref<1x128x128xf32, #tpu.memory_space<vmem>> -> memref<128x128xf32, #tpu.memory_space<vmem>>
      tpu.enqueue_dma source(%dma_start3A_117 : memref<128x128xf32, #tpu.memory_space<vmem>>) target(%dma_start3A_113 : memref<128x128xf32, #tpu.memory_space<vmem_shared>>) target_semaphore(%run_scoped3A_105 : memref<!tpu.dma_semaphore, #tpu.memory_space<semaphore_mem>>)
      %dma_wait3A = arith.constant 0 : i32
      %dma_wait3A_118 = arith.constant 0 : i32
      %dma_wait3A_119 = tpu.memref_slice %arg8[%run_scoped3A_30, %dma_wait3A, %dma_wait3A_118] : memref<2x128x128xf32, #tpu.memory_space<vmem>> -> memref<1x128x128xf32, #tpu.memory_space<vmem>>
      %dma_wait3A_120 = tpu.memref_squeeze %dma_wait3A_119 : memref<1x128x128xf32, #tpu.memory_space<vmem>> -> memref<128x128xf32, #tpu.memory_space<vmem>>
      %dma_wait3A_121 = arith.constant 0 : i32
      %dma_wait3A_122 = tpu.memref_slice %arg11[%add3A_29, %dma_wait3A_121] : memref<10240x128xf32, #tpu.memory_space<vmem_shared>> -> memref<128x128xf32, #tpu.memory_space<vmem_shared>>
      %dma_wait3A_123 = arith.constant 0 : i32
      %dma_wait3A_124 = tpu.memref_slice %arg11[%add3A_29, %dma_wait3A_123] : memref<10240x128xf32, #tpu.memory_space<vmem_shared>> -> memref<128x128xf32, #tpu.memory_space<vmem_shared>>
      %dma_wait3A_125 = arith.constant 0 : i32
      %dma_wait3A_126 = arith.constant 0 : i32
      %dma_wait3A_127 = tpu.memref_slice %arg8[%run_scoped3A_30, %dma_wait3A_125, %dma_wait3A_126] : memref<2x128x128xf32, #tpu.memory_space<vmem>> -> memref<1x128x128xf32, #tpu.memory_space<vmem>>
      %dma_wait3A_128 = tpu.memref_squeeze %dma_wait3A_127 : memref<1x128x128xf32, #tpu.memory_space<vmem>> -> memref<128x128xf32, #tpu.memory_space<vmem>>
      tpu.wait_dma2 semaphore(%run_scoped3A_105 : memref<!tpu.dma_semaphore, #tpu.memory_space<semaphore_mem>>) src(%dma_wait3A_128 : memref<128x128xf32, #tpu.memory_space<vmem>>) dst(%dma_wait3A_124 : memref<128x128xf32, #tpu.memory_space<vmem_shared>>)
      tpu.yield
    }) : () -> ()
    %barrier3A = arith.constant 0 : index
    tpu.barrier barrier_id(%barrier3A)
    %mul3A_31 = arith.constant 80 : i32
    %mul3A_32 = arith.muli %add3A, %mul3A_31 : i32
    %add3A_33 = arith.constant 0 : i32
    %add3A_34 = arith.addi %mul3A_32, %add3A_33 : i32
    "tpu.region"() ({
      %run_scoped3A_105 = tpu.sem_alloc : memref<!tpu.dma_semaphore, #tpu.memory_space<semaphore_mem>>
      %dma_start3A_106 = arith.constant 0 : i32
      %dma_start3A_107 = tpu.memref_slice %arg3[%add3A_34, %dma_start3A_106] : memref<2560x128xi32, #tpu.memory_space<hbm>> -> memref<40x128xi32, #tpu.memory_space<hbm>>
      %dma_start3A_108 = arith.constant 0 : i32
      %dma_start3A_109 = tpu.memref_slice %arg3[%add3A_34, %dma_start3A_108] : memref<2560x128xi32, #tpu.memory_space<hbm>> -> memref<40x128xi32, #tpu.memory_space<hbm>>
      tpu.enqueue_dma source(%dma_start3A_109 : memref<40x128xi32, #tpu.memory_space<hbm>>) target(%arg6 : memref<40x128xi32, #tpu.memory_space<vmem>>) target_semaphore(%run_scoped3A_105 : memref<!tpu.dma_semaphore, #tpu.memory_space<semaphore_mem>>)
      %dma_wait3A = arith.constant 0 : i32
      %dma_wait3A_110 = tpu.memref_slice %arg3[%add3A_34, %dma_wait3A] : memref<2560x128xi32, #tpu.memory_space<hbm>> -> memref<40x128xi32, #tpu.memory_space<hbm>>
      %dma_wait3A_111 = arith.constant 0 : i32
      %dma_wait3A_112 = tpu.memref_slice %arg3[%add3A_34, %dma_wait3A_111] : memref<2560x128xi32, #tpu.memory_space<hbm>> -> memref<40x128xi32, #tpu.memory_space<hbm>>
      tpu.wait_dma2 semaphore(%run_scoped3A_105 : memref<!tpu.dma_semaphore, #tpu.memory_space<semaphore_mem>>) src(%dma_wait3A_112 : memref<40x128xi32, #tpu.memory_space<hbm>>) dst(%arg6 : memref<40x128xi32, #tpu.memory_space<vmem>>)
      tpu.yield
    }) : () -> ()
    "tpu.region"() ({
      %run_scoped3A_105 = tpu.sem_alloc : memref<!tpu.dma_semaphore, #tpu.memory_space<semaphore_mem>>
      %dma_start3A_106 = arith.constant 0 : i32
      %dma_start3A_107 = tpu.memref_slice %arg4[%add3A_34, %dma_start3A_106] : memref<2560x128xi32, #tpu.memory_space<hbm>> -> memref<40x128xi32, #tpu.memory_space<hbm>>
      %dma_start3A_108 = arith.constant 0 : i32
      %dma_start3A_109 = tpu.memref_slice %arg4[%add3A_34, %dma_start3A_108] : memref<2560x128xi32, #tpu.memory_space<hbm>> -> memref<40x128xi32, #tpu.memory_space<hbm>>
      tpu.enqueue_dma source(%dma_start3A_109 : memref<40x128xi32, #tpu.memory_space<hbm>>) target(%arg7 : memref<40x128xi32, #tpu.memory_space<vmem>>) target_semaphore(%run_scoped3A_105 : memref<!tpu.dma_semaphore, #tpu.memory_space<semaphore_mem>>)
      %dma_wait3A = arith.constant 0 : i32
      %dma_wait3A_110 = tpu.memref_slice %arg4[%add3A_34, %dma_wait3A] : memref<2560x128xi32, #tpu.memory_space<hbm>> -> memref<40x128xi32, #tpu.memory_space<hbm>>
      %dma_wait3A_111 = arith.constant 0 : i32
      %dma_wait3A_112 = tpu.memref_slice %arg4[%add3A_34, %dma_wait3A_111] : memref<2560x128xi32, #tpu.memory_space<hbm>> -> memref<40x128xi32, #tpu.memory_space<hbm>>
      tpu.wait_dma2 semaphore(%run_scoped3A_105 : memref<!tpu.dma_semaphore, #tpu.memory_space<semaphore_mem>>) src(%dma_wait3A_112 : memref<40x128xi32, #tpu.memory_space<hbm>>) dst(%arg7 : memref<40x128xi32, #tpu.memory_space<vmem>>)
      tpu.yield
    }) : () -> ()
    %dma_start3A = arith.constant 0 : i32
    %dma_start3A_35 = arith.constant 0 : i32
    %dma_start3A_36 = arith.constant 0 : i32
    %dma_start3A_37 = arith.constant 0 : i32
    %dma_start3A_38 = tpu.memref_slice %arg8[%dma_start3A_35, %dma_start3A_36, %dma_start3A_37] : memref<2x128x128xf32, #tpu.memory_space<vmem>> -> memref<1x128x128xf32, #tpu.memory_space<vmem>>
    %dma_start3A_39 = tpu.memref_squeeze %dma_start3A_38 : memref<1x128x128xf32, #tpu.memory_space<vmem>> -> memref<128x128xf32, #tpu.memory_space<vmem>>
    %dma_start3A_40 = arith.constant 0 : i32
    %dma_start3A_41 = tpu.memref_slice %arg6[%dma_start3A, %dma_start3A_40] : memref<40x128xi32, #tpu.memory_space<vmem>> -> memref<1x128xi32, #tpu.memory_space<vmem>>
    %dma_start3A_42 = tpu.memref_squeeze %dma_start3A_41 : memref<1x128xi32, #tpu.memory_space<vmem>> -> memref<128xi32, #tpu.memory_space<vmem>>
    %dma_start3A_43 = arith.constant 0 : i32
    %dma_start3A_44 = arith.constant 0 : i32
    %dma_start3A_45 = tpu.memref_slice %arg2[%dma_start3A_43, %dma_start3A_44] : memref<10240x128xf32, #tpu.memory_space<hbm>> -> memref<10240x128xf32, #tpu.memory_space<hbm>>
    tpu.enqueue_indirect_dma source(%dma_start3A_45 : memref<10240x128xf32, #tpu.memory_space<hbm>>) target(%dma_start3A_39 : memref<128x128xf32, #tpu.memory_space<vmem>>) offsets(%dma_start3A_42 : memref<128xi32, #tpu.memory_space<vmem>>) semaphore(%arg9 : memref<!tpu.dma_semaphore, #tpu.memory_space<semaphore_mem>>)
    %dma_start3A_46 = arith.constant 1 : i32
    %dma_start3A_47 = arith.constant 1 : i32
    %dma_start3A_48 = arith.constant 0 : i32
    %dma_start3A_49 = arith.constant 0 : i32
    %dma_start3A_50 = tpu.memref_slice %arg8[%dma_start3A_47, %dma_start3A_48, %dma_start3A_49] : memref<2x128x128xf32, #tpu.memory_space<vmem>> -> memref<1x128x128xf32, #tpu.memory_space<vmem>>
    %dma_start3A_51 = tpu.memref_squeeze %dma_start3A_50 : memref<1x128x128xf32, #tpu.memory_space<vmem>> -> memref<128x128xf32, #tpu.memory_space<vmem>>
    %dma_start3A_52 = arith.constant 0 : i32
    %dma_start3A_53 = tpu.memref_slice %arg6[%dma_start3A_46, %dma_start3A_52] : memref<40x128xi32, #tpu.memory_space<vmem>> -> memref<1x128xi32, #tpu.memory_space<vmem>>
    %dma_start3A_54 = tpu.memref_squeeze %dma_start3A_53 : memref<1x128xi32, #tpu.memory_space<vmem>> -> memref<128xi32, #tpu.memory_space<vmem>>
    %dma_start3A_55 = arith.constant 0 : i32
    %dma_start3A_56 = arith.constant 0 : i32
    %dma_start3A_57 = tpu.memref_slice %arg2[%dma_start3A_55, %dma_start3A_56] : memref<10240x128xf32, #tpu.memory_space<hbm>> -> memref<10240x128xf32, #tpu.memory_space<hbm>>
    tpu.enqueue_indirect_dma source(%dma_start3A_57 : memref<10240x128xf32, #tpu.memory_space<hbm>>) target(%dma_start3A_51 : memref<128x128xf32, #tpu.memory_space<vmem>>) offsets(%dma_start3A_54 : memref<128xi32, #tpu.memory_space<vmem>>) semaphore(%arg10 : memref<!tpu.dma_semaphore, #tpu.memory_space<semaphore_mem>>)
    %scan3A_58 = arith.constant 0 : i32
    %scan3A_59 = arith.constant 0 : i32
    %scan3A_60 = arith.constant 20 : i32
    %scan3A_61 = arith.addi %scan3A_59, %scan3A_60 : i32
    %scan3A_62 = arith.constant 1 : i32
    %scan3A_63 = scf.for %scan3A_105 = %scan3A_59 to %scan3A_61 step %scan3A_62 iter_args(%scan3A_106 = %scan3A_58) -> (i32)  : i32 {
      %mul3A_107 = arith.constant 2 : i32
      %mul3A_108 = arith.muli %scan3A_105, %mul3A_107 : i32
      %add3A_109 = arith.constant 0 : i32
      %add3A_110 = arith.addi %mul3A_108, %add3A_109 : i32
      %dma_wait3A = arith.constant 0 : i32
      %dma_wait3A_111 = arith.constant 0 : i32
      %dma_wait3A_112 = arith.constant 0 : i32
      %dma_wait3A_113 = tpu.memref_slice %arg8[%dma_wait3A, %dma_wait3A_111, %dma_wait3A_112] : memref<2x128x128xf32, #tpu.memory_space<vmem>> -> memref<1x128x128xf32, #tpu.memory_space<vmem>>
      %dma_wait3A_114 = tpu.memref_squeeze %dma_wait3A_113 : memref<1x128x128xf32, #tpu.memory_space<vmem>> -> memref<128x128xf32, #tpu.memory_space<vmem>>
      %dma_wait3A_115 = arith.constant 0 : i32
      %dma_wait3A_116 = tpu.memref_slice %arg6[%add3A_110, %dma_wait3A_115] : memref<40x128xi32, #tpu.memory_space<vmem>> -> memref<1x128xi32, #tpu.memory_space<vmem>>
      %dma_wait3A_117 = tpu.memref_squeeze %dma_wait3A_116 : memref<1x128xi32, #tpu.memory_space<vmem>> -> memref<128xi32, #tpu.memory_space<vmem>>
      %dma_wait3A_118 = arith.constant 0 : i32
      %dma_wait3A_119 = arith.constant 0 : i32
      %dma_wait3A_120 = tpu.memref_slice %arg2[%dma_wait3A_118, %dma_wait3A_119] : memref<10240x128xf32, #tpu.memory_space<hbm>> -> memref<10240x128xf32, #tpu.memory_space<hbm>>
      tpu.wait_indirect_dma semaphore(%arg9 : memref<!tpu.dma_semaphore, #tpu.memory_space<semaphore_mem>>) src(%dma_wait3A_120 : memref<10240x128xf32, #tpu.memory_space<hbm>>) dst(%dma_wait3A_114 : memref<128x128xf32, #tpu.memory_space<vmem>>)
      %run_scoped3A_121 = arith.constant 0 : i32
      "tpu.region"() ({
        %run_scoped3A_150 = tpu.sem_alloc : memref<!tpu.dma_semaphore, #tpu.memory_space<semaphore_mem>>
        %dma_start3A_151 = arith.constant 0 : i32
        %dma_start3A_152 = arith.constant 0 : i32
        %dma_start3A_153 = tpu.memref_slice %arg8[%run_scoped3A_121, %dma_start3A_151, %dma_start3A_152] : memref<2x128x128xf32, #tpu.memory_space<vmem>> -> memref<1x128x128xf32, #tpu.memory_space<vmem>>
        %dma_start3A_154 = tpu.memref_squeeze %dma_start3A_153 : memref<1x128x128xf32, #tpu.memory_space<vmem>> -> memref<128x128xf32, #tpu.memory_space<vmem>>
        %dma_start3A_155 = arith.constant 0 : i32
        %dma_start3A_156 = tpu.memref_slice %arg7[%add3A_110, %dma_start3A_155] : memref<40x128xi32, #tpu.memory_space<vmem>> -> memref<1x128xi32, #tpu.memory_space<vmem>>
        %dma_start3A_157 = tpu.memref_squeeze %dma_start3A_156 : memref<1x128xi32, #tpu.memory_space<vmem>> -> memref<128xi32, #tpu.memory_space<vmem>>
        %dma_start3A_158 = arith.constant 0 : i32
        %dma_start3A_159 = arith.constant 0 : i32
        %dma_start3A_160 = tpu.memref_slice %arg11[%dma_start3A_158, %dma_start3A_159] : memref<10240x128xf32, #tpu.memory_space<vmem_shared>> -> memref<10240x128xf32, #tpu.memory_space<vmem_shared>>
        tpu.enqueue_indirect_dma source(%dma_start3A_154 : memref<128x128xf32, #tpu.memory_space<vmem>>) target(%dma_start3A_160 : memref<10240x128xf32, #tpu.memory_space<vmem_shared>>) offsets(%dma_start3A_157 : memref<128xi32, #tpu.memory_space<vmem>>) semaphore(%run_scoped3A_150 : memref<!tpu.dma_semaphore, #tpu.memory_space<semaphore_mem>>) {add = true}
        %dma_wait3A_161 = arith.constant 0 : i32
        %dma_wait3A_162 = arith.constant 0 : i32
        %dma_wait3A_163 = tpu.memref_slice %arg8[%run_scoped3A_121, %dma_wait3A_161, %dma_wait3A_162] : memref<2x128x128xf32, #tpu.memory_space<vmem>> -> memref<1x128x128xf32, #tpu.memory_space<vmem>>
        %dma_wait3A_164 = tpu.memref_squeeze %dma_wait3A_163 : memref<1x128x128xf32, #tpu.memory_space<vmem>> -> memref<128x128xf32, #tpu.memory_space<vmem>>
        %dma_wait3A_165 = arith.constant 0 : i32
        %dma_wait3A_166 = tpu.memref_slice %arg7[%add3A_110, %dma_wait3A_165] : memref<40x128xi32, #tpu.memory_space<vmem>> -> memref<1x128xi32, #tpu.memory_space<vmem>>
        %dma_wait3A_167 = tpu.memref_squeeze %dma_wait3A_166 : memref<1x128xi32, #tpu.memory_space<vmem>> -> memref<128xi32, #tpu.memory_space<vmem>>
        %dma_wait3A_168 = arith.constant 0 : i32
        %dma_wait3A_169 = arith.constant 0 : i32
        %dma_wait3A_170 = tpu.memref_slice %arg11[%dma_wait3A_168, %dma_wait3A_169] : memref<10240x128xf32, #tpu.memory_space<vmem_shared>> -> memref<10240x128xf32, #tpu.memory_space<vmem_shared>>
        tpu.wait_indirect_dma semaphore(%run_scoped3A_150 : memref<!tpu.dma_semaphore, #tpu.memory_space<semaphore_mem>>) src(%dma_wait3A_164 : memref<128x128xf32, #tpu.memory_space<vmem>>) dst(%dma_wait3A_170 : memref<10240x128xf32, #tpu.memory_space<vmem_shared>>)
        tpu.yield
      }) : () -> ()
      %add3A_122 = arith.constant 2 : i32
      %add3A_123 = arith.addi %add3A_110, %add3A_122 : i32
      %lt3A = arith.constant 40 : i32
      %lt3A_124 = arith.cmpi slt, %add3A_123, %lt3A : i32
      %convert_element_type3A = arith.extui %lt3A_124 : i1 to i32
      %cond3A = arith.constant 0 : i32
      %cond3A_125 = arith.cmpi ne, %convert_element_type3A, %cond3A : i32
      scf.if %cond3A_125 {
        %add3A_150 = arith.constant 2 : i32
        %add3A_151 = arith.addi %add3A_110, %add3A_150 : i32
        %dma_start3A_152 = arith.constant 0 : i32
        %dma_start3A_153 = arith.constant 0 : i32
        %dma_start3A_154 = arith.constant 0 : i32
        %dma_start3A_155 = tpu.memref_slice %arg8[%dma_start3A_152, %dma_start3A_153, %dma_start3A_154] : memref<2x128x128xf32, #tpu.memory_space<vmem>> -> memref<1x128x128xf32, #tpu.memory_space<vmem>>
        %dma_start3A_156 = tpu.memref_squeeze %dma_start3A_155 : memref<1x128x128xf32, #tpu.memory_space<vmem>> -> memref<128x128xf32, #tpu.memory_space<vmem>>
        %dma_start3A_157 = arith.constant 0 : i32
        %dma_start3A_158 = tpu.memref_slice %arg6[%add3A_151, %dma_start3A_157] : memref<40x128xi32, #tpu.memory_space<vmem>> -> memref<1x128xi32, #tpu.memory_space<vmem>>
        %dma_start3A_159 = tpu.memref_squeeze %dma_start3A_158 : memref<1x128xi32, #tpu.memory_space<vmem>> -> memref<128xi32, #tpu.memory_space<vmem>>
        %dma_start3A_160 = arith.constant 0 : i32
        %dma_start3A_161 = arith.constant 0 : i32
        %dma_start3A_162 = tpu.memref_slice %arg2[%dma_start3A_160, %dma_start3A_161] : memref<10240x128xf32, #tpu.memory_space<hbm>> -> memref<10240x128xf32, #tpu.memory_space<hbm>>
        tpu.enqueue_indirect_dma source(%dma_start3A_162 : memref<10240x128xf32, #tpu.memory_space<hbm>>) target(%dma_start3A_156 : memref<128x128xf32, #tpu.memory_space<vmem>>) offsets(%dma_start3A_159 : memref<128xi32, #tpu.memory_space<vmem>>) semaphore(%arg9 : memref<!tpu.dma_semaphore, #tpu.memory_space<semaphore_mem>>)
      } else {
      }
      %mul3A_126 = arith.constant 2 : i32
      %mul3A_127 = arith.muli %scan3A_105, %mul3A_126 : i32
      %add3A_128 = arith.constant 1 : i32
      %add3A_129 = arith.addi %mul3A_127, %add3A_128 : i32
      %dma_wait3A_130 = arith.constant 1 : i32
      %dma_wait3A_131 = arith.constant 0 : i32
      %dma_wait3A_132 = arith.constant 0 : i32
      %dma_wait3A_133 = tpu.memref_slice %arg8[%dma_wait3A_130, %dma_wait3A_131, %dma_wait3A_132] : memref<2x128x128xf32, #tpu.memory_space<vmem>> -> memref<1x128x128xf32, #tpu.memory_space<vmem>>
      %dma_wait3A_134 = tpu.memref_squeeze %dma_wait3A_133 : memref<1x128x128xf32, #tpu.memory_space<vmem>> -> memref<128x128xf32, #tpu.memory_space<vmem>>
      %dma_wait3A_135 = arith.constant 0 : i32
      %dma_wait3A_136 = tpu.memref_slice %arg6[%add3A_129, %dma_wait3A_135] : memref<40x128xi32, #tpu.memory_space<vmem>> -> memref<1x128xi32, #tpu.memory_space<vmem>>
      %dma_wait3A_137 = tpu.memref_squeeze %dma_wait3A_136 : memref<1x128xi32, #tpu.memory_space<vmem>> -> memref<128xi32, #tpu.memory_space<vmem>>
      %dma_wait3A_138 = arith.constant 0 : i32
      %dma_wait3A_139 = arith.constant 0 : i32
      %dma_wait3A_140 = tpu.memref_slice %arg2[%dma_wait3A_138, %dma_wait3A_139] : memref<10240x128xf32, #tpu.memory_space<hbm>> -> memref<10240x128xf32, #tpu.memory_space<hbm>>
      tpu.wait_indirect_dma semaphore(%arg10 : memref<!tpu.dma_semaphore, #tpu.memory_space<semaphore_mem>>) src(%dma_wait3A_140 : memref<10240x128xf32, #tpu.memory_space<hbm>>) dst(%dma_wait3A_134 : memref<128x128xf32, #tpu.memory_space<vmem>>)
      %run_scoped3A_141 = arith.constant 1 : i32
      "tpu.region"() ({
        %run_scoped3A_150 = tpu.sem_alloc : memref<!tpu.dma_semaphore, #tpu.memory_space<semaphore_mem>>
        %dma_start3A_151 = arith.constant 0 : i32
        %dma_start3A_152 = arith.constant 0 : i32
        %dma_start3A_153 = tpu.memref_slice %arg8[%run_scoped3A_141, %dma_start3A_151, %dma_start3A_152] : memref<2x128x128xf32, #tpu.memory_space<vmem>> -> memref<1x128x128xf32, #tpu.memory_space<vmem>>
        %dma_start3A_154 = tpu.memref_squeeze %dma_start3A_153 : memref<1x128x128xf32, #tpu.memory_space<vmem>> -> memref<128x128xf32, #tpu.memory_space<vmem>>
        %dma_start3A_155 = arith.constant 0 : i32
        %dma_start3A_156 = tpu.memref_slice %arg7[%add3A_129, %dma_start3A_155] : memref<40x128xi32, #tpu.memory_space<vmem>> -> memref<1x128xi32, #tpu.memory_space<vmem>>
        %dma_start3A_157 = tpu.memref_squeeze %dma_start3A_156 : memref<1x128xi32, #tpu.memory_space<vmem>> -> memref<128xi32, #tpu.memory_space<vmem>>
        %dma_start3A_158 = arith.constant 0 : i32
        %dma_start3A_159 = arith.constant 0 : i32
        %dma_start3A_160 = tpu.memref_slice %arg11[%dma_start3A_158, %dma_start3A_159] : memref<10240x128xf32, #tpu.memory_space<vmem_shared>> -> memref<10240x128xf32, #tpu.memory_space<vmem_shared>>
        tpu.enqueue_indirect_dma source(%dma_start3A_154 : memref<128x128xf32, #tpu.memory_space<vmem>>) target(%dma_start3A_160 : memref<10240x128xf32, #tpu.memory_space<vmem_shared>>) offsets(%dma_start3A_157 : memref<128xi32, #tpu.memory_space<vmem>>) semaphore(%run_scoped3A_150 : memref<!tpu.dma_semaphore, #tpu.memory_space<semaphore_mem>>) {add = true}
        %dma_wait3A_161 = arith.constant 0 : i32
        %dma_wait3A_162 = arith.constant 0 : i32
        %dma_wait3A_163 = tpu.memref_slice %arg8[%run_scoped3A_141, %dma_wait3A_161, %dma_wait3A_162] : memref<2x128x128xf32, #tpu.memory_space<vmem>> -> memref<1x128x128xf32, #tpu.memory_space<vmem>>
        %dma_wait3A_164 = tpu.memref_squeeze %dma_wait3A_163 : memref<1x128x128xf32, #tpu.memory_space<vmem>> -> memref<128x128xf32, #tpu.memory_space<vmem>>
        %dma_wait3A_165 = arith.constant 0 : i32
        %dma_wait3A_166 = tpu.memref_slice %arg7[%add3A_129, %dma_wait3A_165] : memref<40x128xi32, #tpu.memory_space<vmem>> -> memref<1x128xi32, #tpu.memory_space<vmem>>
        %dma_wait3A_167 = tpu.memref_squeeze %dma_wait3A_166 : memref<1x128xi32, #tpu.memory_space<vmem>> -> memref<128xi32, #tpu.memory_space<vmem>>
        %dma_wait3A_168 = arith.constant 0 : i32
        %dma_wait3A_169 = arith.constant 0 : i32
        %dma_wait3A_170 = tpu.memref_slice %arg11[%dma_wait3A_168, %dma_wait3A_169] : memref<10240x128xf32, #tpu.memory_space<vmem_shared>> -> memref<10240x128xf32, #tpu.memory_space<vmem_shared>>
        tpu.wait_indirect_dma semaphore(%run_scoped3A_150 : memref<!tpu.dma_semaphore, #tpu.memory_space<semaphore_mem>>) src(%dma_wait3A_164 : memref<128x128xf32, #tpu.memory_space<vmem>>) dst(%dma_wait3A_170 : memref<10240x128xf32, #tpu.memory_space<vmem_shared>>)
        tpu.yield
      }) : () -> ()
      %add3A_142 = arith.constant 2 : i32
      %add3A_143 = arith.addi %add3A_129, %add3A_142 : i32
      %lt3A_144 = arith.constant 40 : i32
      %lt3A_145 = arith.cmpi slt, %add3A_143, %lt3A_144 : i32
      %convert_element_type3A_146 = arith.extui %lt3A_145 : i1 to i32
      %cond3A_147 = arith.constant 0 : i32
      %cond3A_148 = arith.cmpi ne, %convert_element_type3A_146, %cond3A_147 : i32
      scf.if %cond3A_148 {
        %add3A_150 = arith.constant 2 : i32
        %add3A_151 = arith.addi %add3A_129, %add3A_150 : i32
        %dma_start3A_152 = arith.constant 1 : i32
        %dma_start3A_153 = arith.constant 0 : i32
        %dma_start3A_154 = arith.constant 0 : i32
        %dma_start3A_155 = tpu.memref_slice %arg8[%dma_start3A_152, %dma_start3A_153, %dma_start3A_154] : memref<2x128x128xf32, #tpu.memory_space<vmem>> -> memref<1x128x128xf32, #tpu.memory_space<vmem>>
        %dma_start3A_156 = tpu.memref_squeeze %dma_start3A_155 : memref<1x128x128xf32, #tpu.memory_space<vmem>> -> memref<128x128xf32, #tpu.memory_space<vmem>>
        %dma_start3A_157 = arith.constant 0 : i32
        %dma_start3A_158 = tpu.memref_slice %arg6[%add3A_151, %dma_start3A_157] : memref<40x128xi32, #tpu.memory_space<vmem>> -> memref<1x128xi32, #tpu.memory_space<vmem>>
        %dma_start3A_159 = tpu.memref_squeeze %dma_start3A_158 : memref<1x128xi32, #tpu.memory_space<vmem>> -> memref<128xi32, #tpu.memory_space<vmem>>
        %dma_start3A_160 = arith.constant 0 : i32
        %dma_start3A_161 = arith.constant 0 : i32
        %dma_start3A_162 = tpu.memref_slice %arg2[%dma_start3A_160, %dma_start3A_161] : memref<10240x128xf32, #tpu.memory_space<hbm>> -> memref<10240x128xf32, #tpu.memory_space<hbm>>
        tpu.enqueue_indirect_dma source(%dma_start3A_162 : memref<10240x128xf32, #tpu.memory_space<hbm>>) target(%dma_start3A_156 : memref<128x128xf32, #tpu.memory_space<vmem>>) offsets(%dma_start3A_159 : memref<128xi32, #tpu.memory_space<vmem>>) semaphore(%arg10 : memref<!tpu.dma_semaphore, #tpu.memory_space<semaphore_mem>>)
      } else {
      }
      %scan3A_149 = arith.constant 0 : i32
      scf.yield %scan3A_149 : i32
    }
    %scan3A_64 = arith.constant 20 : i32
    %mul3A_65 = arith.constant 80 : i32
    %mul3A_66 = arith.muli %add3A, %mul3A_65 : i32
    %add3A_67 = arith.constant 40 : i32
    %add3A_68 = arith.addi %mul3A_66, %add3A_67 : i32
    "tpu.region"() ({
      %run_scoped3A_105 = tpu.sem_alloc : memref<!tpu.dma_semaphore, #tpu.memory_space<semaphore_mem>>
      %dma_start3A_106 = arith.constant 0 : i32
      %dma_start3A_107 = tpu.memref_slice %arg3[%add3A_68, %dma_start3A_106] : memref<2560x128xi32, #tpu.memory_space<hbm>> -> memref<40x128xi32, #tpu.memory_space<hbm>>
      %dma_start3A_108 = arith.constant 0 : i32
      %dma_start3A_109 = tpu.memref_slice %arg3[%add3A_68, %dma_start3A_108] : memref<2560x128xi32, #tpu.memory_space<hbm>> -> memref<40x128xi32, #tpu.memory_space<hbm>>
      tpu.enqueue_dma source(%dma_start3A_109 : memref<40x128xi32, #tpu.memory_space<hbm>>) target(%arg6 : memref<40x128xi32, #tpu.memory_space<vmem>>) target_semaphore(%run_scoped3A_105 : memref<!tpu.dma_semaphore, #tpu.memory_space<semaphore_mem>>)
      %dma_wait3A = arith.constant 0 : i32
      %dma_wait3A_110 = tpu.memref_slice %arg3[%add3A_68, %dma_wait3A] : memref<2560x128xi32, #tpu.memory_space<hbm>> -> memref<40x128xi32, #tpu.memory_space<hbm>>
      %dma_wait3A_111 = arith.constant 0 : i32
      %dma_wait3A_112 = tpu.memref_slice %arg3[%add3A_68, %dma_wait3A_111] : memref<2560x128xi32, #tpu.memory_space<hbm>> -> memref<40x128xi32, #tpu.memory_space<hbm>>
      tpu.wait_dma2 semaphore(%run_scoped3A_105 : memref<!tpu.dma_semaphore, #tpu.memory_space<semaphore_mem>>) src(%dma_wait3A_112 : memref<40x128xi32, #tpu.memory_space<hbm>>) dst(%arg6 : memref<40x128xi32, #tpu.memory_space<vmem>>)
      tpu.yield
    }) : () -> ()
    "tpu.region"() ({
      %run_scoped3A_105 = tpu.sem_alloc : memref<!tpu.dma_semaphore, #tpu.memory_space<semaphore_mem>>
      %dma_start3A_106 = arith.constant 0 : i32
      %dma_start3A_107 = tpu.memref_slice %arg4[%add3A_68, %dma_start3A_106] : memref<2560x128xi32, #tpu.memory_space<hbm>> -> memref<40x128xi32, #tpu.memory_space<hbm>>
      %dma_start3A_108 = arith.constant 0 : i32
      %dma_start3A_109 = tpu.memref_slice %arg4[%add3A_68, %dma_start3A_108] : memref<2560x128xi32, #tpu.memory_space<hbm>> -> memref<40x128xi32, #tpu.memory_space<hbm>>
      tpu.enqueue_dma source(%dma_start3A_109 : memref<40x128xi32, #tpu.memory_space<hbm>>) target(%arg7 : memref<40x128xi32, #tpu.memory_space<vmem>>) target_semaphore(%run_scoped3A_105 : memref<!tpu.dma_semaphore, #tpu.memory_space<semaphore_mem>>)
      %dma_wait3A = arith.constant 0 : i32
      %dma_wait3A_110 = tpu.memref_slice %arg4[%add3A_68, %dma_wait3A] : memref<2560x128xi32, #tpu.memory_space<hbm>> -> memref<40x128xi32, #tpu.memory_space<hbm>>
      %dma_wait3A_111 = arith.constant 0 : i32
      %dma_wait3A_112 = tpu.memref_slice %arg4[%add3A_68, %dma_wait3A_111] : memref<2560x128xi32, #tpu.memory_space<hbm>> -> memref<40x128xi32, #tpu.memory_space<hbm>>
      tpu.wait_dma2 semaphore(%run_scoped3A_105 : memref<!tpu.dma_semaphore, #tpu.memory_space<semaphore_mem>>) src(%dma_wait3A_112 : memref<40x128xi32, #tpu.memory_space<hbm>>) dst(%arg7 : memref<40x128xi32, #tpu.memory_space<vmem>>)
      tpu.yield
    }) : () -> ()
    %dma_start3A_69 = arith.constant 0 : i32
    %dma_start3A_70 = arith.constant 0 : i32
    %dma_start3A_71 = arith.constant 0 : i32
    %dma_start3A_72 = arith.constant 0 : i32
    %dma_start3A_73 = tpu.memref_slice %arg8[%dma_start3A_70, %dma_start3A_71, %dma_start3A_72] : memref<2x128x128xf32, #tpu.memory_space<vmem>> -> memref<1x128x128xf32, #tpu.memory_space<vmem>>
    %dma_start3A_74 = tpu.memref_squeeze %dma_start3A_73 : memref<1x128x128xf32, #tpu.memory_space<vmem>> -> memref<128x128xf32, #tpu.memory_space<vmem>>
    %dma_start3A_75 = arith.constant 0 : i32
    %dma_start3A_76 = tpu.memref_slice %arg6[%dma_start3A_69, %dma_start3A_75] : memref<40x128xi32, #tpu.memory_space<vmem>> -> memref<1x128xi32, #tpu.memory_space<vmem>>
    %dma_start3A_77 = tpu.memref_squeeze %dma_start3A_76 : memref<1x128xi32, #tpu.memory_space<vmem>> -> memref<128xi32, #tpu.memory_space<vmem>>
    %dma_start3A_78 = arith.constant 0 : i32
    %dma_start3A_79 = arith.constant 0 : i32
    %dma_start3A_80 = tpu.memref_slice %arg2[%dma_start3A_78, %dma_start3A_79] : memref<10240x128xf32, #tpu.memory_space<hbm>> -> memref<10240x128xf32, #tpu.memory_space<hbm>>
    tpu.enqueue_indirect_dma source(%dma_start3A_80 : memref<10240x128xf32, #tpu.memory_space<hbm>>) target(%dma_start3A_74 : memref<128x128xf32, #tpu.memory_space<vmem>>) offsets(%dma_start3A_77 : memref<128xi32, #tpu.memory_space<vmem>>) semaphore(%arg9 : memref<!tpu.dma_semaphore, #tpu.memory_space<semaphore_mem>>)
    %dma_start3A_81 = arith.constant 1 : i32
    %dma_start3A_82 = arith.constant 1 : i32
    %dma_start3A_83 = arith.constant 0 : i32
    %dma_start3A_84 = arith.constant 0 : i32
    %dma_start3A_85 = tpu.memref_slice %arg8[%dma_start3A_82, %dma_start3A_83, %dma_start3A_84] : memref<2x128x128xf32, #tpu.memory_space<vmem>> -> memref<1x128x128xf32, #tpu.memory_space<vmem>>
    %dma_start3A_86 = tpu.memref_squeeze %dma_start3A_85 : memref<1x128x128xf32, #tpu.memory_space<vmem>> -> memref<128x128xf32, #tpu.memory_space<vmem>>
    %dma_start3A_87 = arith.constant 0 : i32
    %dma_start3A_88 = tpu.memref_slice %arg6[%dma_start3A_81, %dma_start3A_87] : memref<40x128xi32, #tpu.memory_space<vmem>> -> memref<1x128xi32, #tpu.memory_space<vmem>>
    %dma_start3A_89 = tpu.memref_squeeze %dma_start3A_88 : memref<1x128xi32, #tpu.memory_space<vmem>> -> memref<128xi32, #tpu.memory_space<vmem>>
    %dma_start3A_90 = arith.constant 0 : i32
    %dma_start3A_91 = arith.constant 0 : i32
    %dma_start3A_92 = tpu.memref_slice %arg2[%dma_start3A_90, %dma_start3A_91] : memref<10240x128xf32, #tpu.memory_space<hbm>> -> memref<10240x128xf32, #tpu.memory_space<hbm>>
    tpu.enqueue_indirect_dma source(%dma_start3A_92 : memref<10240x128xf32, #tpu.memory_space<hbm>>) target(%dma_start3A_86 : memref<128x128xf32, #tpu.memory_space<vmem>>) offsets(%dma_start3A_89 : memref<128xi32, #tpu.memory_space<vmem>>) semaphore(%arg10 : memref<!tpu.dma_semaphore, #tpu.memory_space<semaphore_mem>>)
    %scan3A_93 = arith.constant 0 : i32
    %scan3A_94 = arith.constant 0 : i32
    %scan3A_95 = arith.constant 20 : i32
    %scan3A_96 = arith.addi %scan3A_94, %scan3A_95 : i32
    %scan3A_97 = arith.constant 1 : i32
    %scan3A_98 = scf.for %scan3A_105 = %scan3A_94 to %scan3A_96 step %scan3A_97 iter_args(%scan3A_106 = %scan3A_93) -> (i32)  : i32 {
      %mul3A_107 = arith.constant 2 : i32
      %mul3A_108 = arith.muli %scan3A_105, %mul3A_107 : i32
      %add3A_109 = arith.constant 0 : i32
      %add3A_110 = arith.addi %mul3A_108, %add3A_109 : i32
      %dma_wait3A = arith.constant 0 : i32
      %dma_wait3A_111 = arith.constant 0 : i32
      %dma_wait3A_112 = arith.constant 0 : i32
      %dma_wait3A_113 = tpu.memref_slice %arg8[%dma_wait3A, %dma_wait3A_111, %dma_wait3A_112] : memref<2x128x128xf32, #tpu.memory_space<vmem>> -> memref<1x128x128xf32, #tpu.memory_space<vmem>>
      %dma_wait3A_114 = tpu.memref_squeeze %dma_wait3A_113 : memref<1x128x128xf32, #tpu.memory_space<vmem>> -> memref<128x128xf32, #tpu.memory_space<vmem>>
      %dma_wait3A_115 = arith.constant 0 : i32
      %dma_wait3A_116 = tpu.memref_slice %arg6[%add3A_110, %dma_wait3A_115] : memref<40x128xi32, #tpu.memory_space<vmem>> -> memref<1x128xi32, #tpu.memory_space<vmem>>
      %dma_wait3A_117 = tpu.memref_squeeze %dma_wait3A_116 : memref<1x128xi32, #tpu.memory_space<vmem>> -> memref<128xi32, #tpu.memory_space<vmem>>
      %dma_wait3A_118 = arith.constant 0 : i32
      %dma_wait3A_119 = arith.constant 0 : i32
      %dma_wait3A_120 = tpu.memref_slice %arg2[%dma_wait3A_118, %dma_wait3A_119] : memref<10240x128xf32, #tpu.memory_space<hbm>> -> memref<10240x128xf32, #tpu.memory_space<hbm>>
      tpu.wait_indirect_dma semaphore(%arg9 : memref<!tpu.dma_semaphore, #tpu.memory_space<semaphore_mem>>) src(%dma_wait3A_120 : memref<10240x128xf32, #tpu.memory_space<hbm>>) dst(%dma_wait3A_114 : memref<128x128xf32, #tpu.memory_space<vmem>>)
      %run_scoped3A_121 = arith.constant 0 : i32
      "tpu.region"() ({
        %run_scoped3A_150 = tpu.sem_alloc : memref<!tpu.dma_semaphore, #tpu.memory_space<semaphore_mem>>
        %dma_start3A_151 = arith.constant 0 : i32
        %dma_start3A_152 = arith.constant 0 : i32
        %dma_start3A_153 = tpu.memref_slice %arg8[%run_scoped3A_121, %dma_start3A_151, %dma_start3A_152] : memref<2x128x128xf32, #tpu.memory_space<vmem>> -> memref<1x128x128xf32, #tpu.memory_space<vmem>>
        %dma_start3A_154 = tpu.memref_squeeze %dma_start3A_153 : memref<1x128x128xf32, #tpu.memory_space<vmem>> -> memref<128x128xf32, #tpu.memory_space<vmem>>
        %dma_start3A_155 = arith.constant 0 : i32
        %dma_start3A_156 = tpu.memref_slice %arg7[%add3A_110, %dma_start3A_155] : memref<40x128xi32, #tpu.memory_space<vmem>> -> memref<1x128xi32, #tpu.memory_space<vmem>>
        %dma_start3A_157 = tpu.memref_squeeze %dma_start3A_156 : memref<1x128xi32, #tpu.memory_space<vmem>> -> memref<128xi32, #tpu.memory_space<vmem>>
        %dma_start3A_158 = arith.constant 0 : i32
        %dma_start3A_159 = arith.constant 0 : i32
        %dma_start3A_160 = tpu.memref_slice %arg11[%dma_start3A_158, %dma_start3A_159] : memref<10240x128xf32, #tpu.memory_space<vmem_shared>> -> memref<10240x128xf32, #tpu.memory_space<vmem_shared>>
        tpu.enqueue_indirect_dma source(%dma_start3A_154 : memref<128x128xf32, #tpu.memory_space<vmem>>) target(%dma_start3A_160 : memref<10240x128xf32, #tpu.memory_space<vmem_shared>>) offsets(%dma_start3A_157 : memref<128xi32, #tpu.memory_space<vmem>>) semaphore(%run_scoped3A_150 : memref<!tpu.dma_semaphore, #tpu.memory_space<semaphore_mem>>) {add = true}
        %dma_wait3A_161 = arith.constant 0 : i32
        %dma_wait3A_162 = arith.constant 0 : i32
        %dma_wait3A_163 = tpu.memref_slice %arg8[%run_scoped3A_121, %dma_wait3A_161, %dma_wait3A_162] : memref<2x128x128xf32, #tpu.memory_space<vmem>> -> memref<1x128x128xf32, #tpu.memory_space<vmem>>
        %dma_wait3A_164 = tpu.memref_squeeze %dma_wait3A_163 : memref<1x128x128xf32, #tpu.memory_space<vmem>> -> memref<128x128xf32, #tpu.memory_space<vmem>>
        %dma_wait3A_165 = arith.constant 0 : i32
        %dma_wait3A_166 = tpu.memref_slice %arg7[%add3A_110, %dma_wait3A_165] : memref<40x128xi32, #tpu.memory_space<vmem>> -> memref<1x128xi32, #tpu.memory_space<vmem>>
        %dma_wait3A_167 = tpu.memref_squeeze %dma_wait3A_166 : memref<1x128xi32, #tpu.memory_space<vmem>> -> memref<128xi32, #tpu.memory_space<vmem>>
        %dma_wait3A_168 = arith.constant 0 : i32
        %dma_wait3A_169 = arith.constant 0 : i32
        %dma_wait3A_170 = tpu.memref_slice %arg11[%dma_wait3A_168, %dma_wait3A_169] : memref<10240x128xf32, #tpu.memory_space<vmem_shared>> -> memref<10240x128xf32, #tpu.memory_space<vmem_shared>>
        tpu.wait_indirect_dma semaphore(%run_scoped3A_150 : memref<!tpu.dma_semaphore, #tpu.memory_space<semaphore_mem>>) src(%dma_wait3A_164 : memref<128x128xf32, #tpu.memory_space<vmem>>) dst(%dma_wait3A_170 : memref<10240x128xf32, #tpu.memory_space<vmem_shared>>)
        tpu.yield
      }) : () -> ()
      %add3A_122 = arith.constant 2 : i32
      %add3A_123 = arith.addi %add3A_110, %add3A_122 : i32
      %lt3A = arith.constant 40 : i32
      %lt3A_124 = arith.cmpi slt, %add3A_123, %lt3A : i32
      %convert_element_type3A = arith.extui %lt3A_124 : i1 to i32
      %cond3A = arith.constant 0 : i32
      %cond3A_125 = arith.cmpi ne, %convert_element_type3A, %cond3A : i32
      scf.if %cond3A_125 {
        %add3A_150 = arith.constant 2 : i32
        %add3A_151 = arith.addi %add3A_110, %add3A_150 : i32
        %dma_start3A_152 = arith.constant 0 : i32
        %dma_start3A_153 = arith.constant 0 : i32
        %dma_start3A_154 = arith.constant 0 : i32
        %dma_start3A_155 = tpu.memref_slice %arg8[%dma_start3A_152, %dma_start3A_153, %dma_start3A_154] : memref<2x128x128xf32, #tpu.memory_space<vmem>> -> memref<1x128x128xf32, #tpu.memory_space<vmem>>
        %dma_start3A_156 = tpu.memref_squeeze %dma_start3A_155 : memref<1x128x128xf32, #tpu.memory_space<vmem>> -> memref<128x128xf32, #tpu.memory_space<vmem>>
        %dma_start3A_157 = arith.constant 0 : i32
        %dma_start3A_158 = tpu.memref_slice %arg6[%add3A_151, %dma_start3A_157] : memref<40x128xi32, #tpu.memory_space<vmem>> -> memref<1x128xi32, #tpu.memory_space<vmem>>
        %dma_start3A_159 = tpu.memref_squeeze %dma_start3A_158 : memref<1x128xi32, #tpu.memory_space<vmem>> -> memref<128xi32, #tpu.memory_space<vmem>>
        %dma_start3A_160 = arith.constant 0 : i32
        %dma_start3A_161 = arith.constant 0 : i32
        %dma_start3A_162 = tpu.memref_slice %arg2[%dma_start3A_160, %dma_start3A_161] : memref<10240x128xf32, #tpu.memory_space<hbm>> -> memref<10240x128xf32, #tpu.memory_space<hbm>>
        tpu.enqueue_indirect_dma source(%dma_start3A_162 : memref<10240x128xf32, #tpu.memory_space<hbm>>) target(%dma_start3A_156 : memref<128x128xf32, #tpu.memory_space<vmem>>) offsets(%dma_start3A_159 : memref<128xi32, #tpu.memory_space<vmem>>) semaphore(%arg9 : memref<!tpu.dma_semaphore, #tpu.memory_space<semaphore_mem>>)
      } else {
      }
      %mul3A_126 = arith.constant 2 : i32
      %mul3A_127 = arith.muli %scan3A_105, %mul3A_126 : i32
      %add3A_128 = arith.constant 1 : i32
      %add3A_129 = arith.addi %mul3A_127, %add3A_128 : i32
      %dma_wait3A_130 = arith.constant 1 : i32
      %dma_wait3A_131 = arith.constant 0 : i32
      %dma_wait3A_132 = arith.constant 0 : i32
      %dma_wait3A_133 = tpu.memref_slice %arg8[%dma_wait3A_130, %dma_wait3A_131, %dma_wait3A_132] : memref<2x128x128xf32, #tpu.memory_space<vmem>> -> memref<1x128x128xf32, #tpu.memory_space<vmem>>
      %dma_wait3A_134 = tpu.memref_squeeze %dma_wait3A_133 : memref<1x128x128xf32, #tpu.memory_space<vmem>> -> memref<128x128xf32, #tpu.memory_space<vmem>>
      %dma_wait3A_135 = arith.constant 0 : i32
      %dma_wait3A_136 = tpu.memref_slice %arg6[%add3A_129, %dma_wait3A_135] : memref<40x128xi32, #tpu.memory_space<vmem>> -> memref<1x128xi32, #tpu.memory_space<vmem>>
      %dma_wait3A_137 = tpu.memref_squeeze %dma_wait3A_136 : memref<1x128xi32, #tpu.memory_space<vmem>> -> memref<128xi32, #tpu.memory_space<vmem>>
      %dma_wait3A_138 = arith.constant 0 : i32
      %dma_wait3A_139 = arith.constant 0 : i32
      %dma_wait3A_140 = tpu.memref_slice %arg2[%dma_wait3A_138, %dma_wait3A_139] : memref<10240x128xf32, #tpu.memory_space<hbm>> -> memref<10240x128xf32, #tpu.memory_space<hbm>>
      tpu.wait_indirect_dma semaphore(%arg10 : memref<!tpu.dma_semaphore, #tpu.memory_space<semaphore_mem>>) src(%dma_wait3A_140 : memref<10240x128xf32, #tpu.memory_space<hbm>>) dst(%dma_wait3A_134 : memref<128x128xf32, #tpu.memory_space<vmem>>)
      %run_scoped3A_141 = arith.constant 1 : i32
      "tpu.region"() ({
        %run_scoped3A_150 = tpu.sem_alloc : memref<!tpu.dma_semaphore, #tpu.memory_space<semaphore_mem>>
        %dma_start3A_151 = arith.constant 0 : i32
        %dma_start3A_152 = arith.constant 0 : i32
        %dma_start3A_153 = tpu.memref_slice %arg8[%run_scoped3A_141, %dma_start3A_151, %dma_start3A_152] : memref<2x128x128xf32, #tpu.memory_space<vmem>> -> memref<1x128x128xf32, #tpu.memory_space<vmem>>
        %dma_start3A_154 = tpu.memref_squeeze %dma_start3A_153 : memref<1x128x128xf32, #tpu.memory_space<vmem>> -> memref<128x128xf32, #tpu.memory_space<vmem>>
        %dma_start3A_155 = arith.constant 0 : i32
        %dma_start3A_156 = tpu.memref_slice %arg7[%add3A_129, %dma_start3A_155] : memref<40x128xi32, #tpu.memory_space<vmem>> -> memref<1x128xi32, #tpu.memory_space<vmem>>
        %dma_start3A_157 = tpu.memref_squeeze %dma_start3A_156 : memref<1x128xi32, #tpu.memory_space<vmem>> -> memref<128xi32, #tpu.memory_space<vmem>>
        %dma_start3A_158 = arith.constant 0 : i32
        %dma_start3A_159 = arith.constant 0 : i32
        %dma_start3A_160 = tpu.memref_slice %arg11[%dma_start3A_158, %dma_start3A_159] : memref<10240x128xf32, #tpu.memory_space<vmem_shared>> -> memref<10240x128xf32, #tpu.memory_space<vmem_shared>>
        tpu.enqueue_indirect_dma source(%dma_start3A_154 : memref<128x128xf32, #tpu.memory_space<vmem>>) target(%dma_start3A_160 : memref<10240x128xf32, #tpu.memory_space<vmem_shared>>) offsets(%dma_start3A_157 : memref<128xi32, #tpu.memory_space<vmem>>) semaphore(%run_scoped3A_150 : memref<!tpu.dma_semaphore, #tpu.memory_space<semaphore_mem>>) {add = true}
        %dma_wait3A_161 = arith.constant 0 : i32
        %dma_wait3A_162 = arith.constant 0 : i32
        %dma_wait3A_163 = tpu.memref_slice %arg8[%run_scoped3A_141, %dma_wait3A_161, %dma_wait3A_162] : memref<2x128x128xf32, #tpu.memory_space<vmem>> -> memref<1x128x128xf32, #tpu.memory_space<vmem>>
        %dma_wait3A_164 = tpu.memref_squeeze %dma_wait3A_163 : memref<1x128x128xf32, #tpu.memory_space<vmem>> -> memref<128x128xf32, #tpu.memory_space<vmem>>
        %dma_wait3A_165 = arith.constant 0 : i32
        %dma_wait3A_166 = tpu.memref_slice %arg7[%add3A_129, %dma_wait3A_165] : memref<40x128xi32, #tpu.memory_space<vmem>> -> memref<1x128xi32, #tpu.memory_space<vmem>>
        %dma_wait3A_167 = tpu.memref_squeeze %dma_wait3A_166 : memref<1x128xi32, #tpu.memory_space<vmem>> -> memref<128xi32, #tpu.memory_space<vmem>>
        %dma_wait3A_168 = arith.constant 0 : i32
        %dma_wait3A_169 = arith.constant 0 : i32
        %dma_wait3A_170 = tpu.memref_slice %arg11[%dma_wait3A_168, %dma_wait3A_169] : memref<10240x128xf32, #tpu.memory_space<vmem_shared>> -> memref<10240x128xf32, #tpu.memory_space<vmem_shared>>
        tpu.wait_indirect_dma semaphore(%run_scoped3A_150 : memref<!tpu.dma_semaphore, #tpu.memory_space<semaphore_mem>>) src(%dma_wait3A_164 : memref<128x128xf32, #tpu.memory_space<vmem>>) dst(%dma_wait3A_170 : memref<10240x128xf32, #tpu.memory_space<vmem_shared>>)
        tpu.yield
      }) : () -> ()
      %add3A_142 = arith.constant 2 : i32
      %add3A_143 = arith.addi %add3A_129, %add3A_142 : i32
      %lt3A_144 = arith.constant 40 : i32
      %lt3A_145 = arith.cmpi slt, %add3A_143, %lt3A_144 : i32
      %convert_element_type3A_146 = arith.extui %lt3A_145 : i1 to i32
      %cond3A_147 = arith.constant 0 : i32
      %cond3A_148 = arith.cmpi ne, %convert_element_type3A_146, %cond3A_147 : i32
      scf.if %cond3A_148 {
        %add3A_150 = arith.constant 2 : i32
        %add3A_151 = arith.addi %add3A_129, %add3A_150 : i32
        %dma_start3A_152 = arith.constant 1 : i32
        %dma_start3A_153 = arith.constant 0 : i32
        %dma_start3A_154 = arith.constant 0 : i32
        %dma_start3A_155 = tpu.memref_slice %arg8[%dma_start3A_152, %dma_start3A_153, %dma_start3A_154] : memref<2x128x128xf32, #tpu.memory_space<vmem>> -> memref<1x128x128xf32, #tpu.memory_space<vmem>>
        %dma_start3A_156 = tpu.memref_squeeze %dma_start3A_155 : memref<1x128x128xf32, #tpu.memory_space<vmem>> -> memref<128x128xf32, #tpu.memory_space<vmem>>
        %dma_start3A_157 = arith.constant 0 : i32
        %dma_start3A_158 = tpu.memref_slice %arg6[%add3A_151, %dma_start3A_157] : memref<40x128xi32, #tpu.memory_space<vmem>> -> memref<1x128xi32, #tpu.memory_space<vmem>>
        %dma_start3A_159 = tpu.memref_squeeze %dma_start3A_158 : memref<1x128xi32, #tpu.memory_space<vmem>> -> memref<128xi32, #tpu.memory_space<vmem>>
        %dma_start3A_160 = arith.constant 0 : i32
        %dma_start3A_161 = arith.constant 0 : i32
        %dma_start3A_162 = tpu.memref_slice %arg2[%dma_start3A_160, %dma_start3A_161] : memref<10240x128xf32, #tpu.memory_space<hbm>> -> memref<10240x128xf32, #tpu.memory_space<hbm>>
        tpu.enqueue_indirect_dma source(%dma_start3A_162 : memref<10240x128xf32, #tpu.memory_space<hbm>>) target(%dma_start3A_156 : memref<128x128xf32, #tpu.memory_space<vmem>>) offsets(%dma_start3A_159 : memref<128xi32, #tpu.memory_space<vmem>>) semaphore(%arg10 : memref<!tpu.dma_semaphore, #tpu.memory_space<semaphore_mem>>)
      } else {
      }
      %scan3A_149 = arith.constant 0 : i32
      scf.yield %scan3A_149 : i32
    }
    %scan3A_99 = arith.constant 20 : i32
    %barrier3A_100 = arith.constant 0 : index
    tpu.barrier barrier_id(%barrier3A_100)
    %mul3A_101 = arith.constant 640 : i32
    %mul3A_102 = arith.muli %arg1, %mul3A_101 : i32
    %mul3A_103 = arith.constant 640 : i32
    %mul3A_104 = arith.muli %arg1, %mul3A_103 : i32
    "tpu.region"() ({
      %run_scoped3A_105 = tpu.sem_alloc : memref<!tpu.dma_semaphore, #tpu.memory_space<semaphore_mem>>
      %dma_start3A_106 = arith.constant 0 : i32
      %dma_start3A_107 = tpu.memref_slice %arg5[%arg0, %mul3A_104, %dma_start3A_106] : memref<2x10240x128xf32, #tpu.memory_space<hbm>> -> memref<1x640x128xf32, #tpu.memory_space<hbm>>
      %dma_start3A_108 = tpu.memref_squeeze %dma_start3A_107 : memref<1x640x128xf32, #tpu.memory_space<hbm>> -> memref<640x128xf32, #tpu.memory_space<hbm>>
      %dma_start3A_109 = arith.constant 0 : i32
      %dma_start3A_110 = tpu.memref_slice %arg11[%mul3A_102, %dma_start3A_109] : memref<10240x128xf32, #tpu.memory_space<vmem_shared>> -> memref<640x128xf32, #tpu.memory_space<vmem_shared>>
      tpu.enqueue_dma source(%dma_start3A_110 : memref<640x128xf32, #tpu.memory_space<vmem_shared>>) target(%dma_start3A_108 : memref<640x128xf32, #tpu.memory_space<hbm>>) target_semaphore(%run_scoped3A_105 : memref<!tpu.dma_semaphore, #tpu.memory_space<semaphore_mem>>)
      %dma_wait3A = arith.constant 0 : i32
      %dma_wait3A_111 = tpu.memref_slice %arg5[%arg0, %mul3A_104, %dma_wait3A] : memref<2x10240x128xf32, #tpu.memory_space<hbm>> -> memref<1x640x128xf32, #tpu.memory_space<hbm>>
      %dma_wait3A_112 = tpu.memref_squeeze %dma_wait3A_111 : memref<1x640x128xf32, #tpu.memory_space<hbm>> -> memref<640x128xf32, #tpu.memory_space<hbm>>
      %dma_wait3A_113 = arith.constant 0 : i32
      %dma_wait3A_114 = tpu.memref_slice %arg11[%mul3A_102, %dma_wait3A_113] : memref<10240x128xf32, #tpu.memory_space<vmem_shared>> -> memref<640x128xf32, #tpu.memory_space<vmem_shared>>
      tpu.wait_dma2 semaphore(%run_scoped3A_105 : memref<!tpu.dma_semaphore, #tpu.memory_space<semaphore_mem>>) src(%dma_wait3A_114 : memref<640x128xf32, #tpu.memory_space<vmem_shared>>) dst(%dma_wait3A_112 : memref<640x128xf32, #tpu.memory_space<hbm>>)
      tpu.yield
    }) : () -> ()
    return
  }
}

module attributes {stable_mosaic.version = 14 : i64} {
  func.func @_norm_body(%arg0: memref<2x10240x1xf32, #tpu.memory_space<vmem>>, %arg1: memref<10000x128xf32, #tpu.memory_space<vmem>>, %arg2: memref<10240x128xf32, #tpu.memory_space<vmem>>) attributes {dimension_semantics = [], scalar_prefetch = 0 : i64, scratch_operands = 0 : i64, tpu.core_type = #tpu.core_type<tc>} {
    %get3A = arith.constant 0 : index
    %get3A_0 = arith.constant 0 : index
    %get3A_1 = arith.constant 0 : index
    %get3A_2 = vector.load %arg0[%get3A, %get3A_0, %get3A_1] : memref<2x10240x1xf32, #tpu.memory_space<vmem>>, vector<2x10240x1xf32>
    %slice3A = vector.extract_strided_slice %get3A_2 {offsets = [0, 0, 0], sizes = [1, 10240, 1], strides = [1, 1, 1]} : vector<2x10240x1xf32> to vector<1x10240x1xf32>
    %squeeze3A = vector.shape_cast %slice3A : vector<1x10240x1xf32> to vector<10240x1xf32>
    %slice3A_3 = vector.extract_strided_slice %get3A_2 {offsets = [1, 0, 0], sizes = [1, 10240, 1], strides = [1, 1, 1]} : vector<2x10240x1xf32> to vector<1x10240x1xf32>
    %squeeze3A_4 = vector.shape_cast %slice3A_3 : vector<1x10240x1xf32> to vector<10240x1xf32>
    %add3A = arith.addf %squeeze3A, %squeeze3A_4 : vector<10240x1xf32>
    %gt3A = arith.constant 0.000000e+00 : f32
    %gt3A_5 = vector.broadcast %gt3A : f32 to vector<10240x1xf32>
    %gt3A_6 = arith.cmpf ogt, %add3A, %gt3A_5 : vector<10240x1xf32>
    %jit3A = arith.constant 1.000000e+00 : f32
    %broadcast_in_dim3A = vector.broadcast %jit3A : f32 to vector<10240x1xf32>
    %select_n3A = arith.select %gt3A_6, %add3A, %broadcast_in_dim3A : vector<10240x1xi1>, vector<10240x1xf32>
    %rsqrt3A = math.rsqrt %select_n3A : vector<10240x1xf32>
    %get3A_7 = arith.constant 0 : index
    %get3A_8 = arith.constant 0 : index
    %get3A_9 = vector.load %arg1[%get3A_7, %get3A_8] : memref<10000x128xf32, #tpu.memory_space<vmem>>, vector<10000x128xf32>
    %slice3A_10 = vector.extract_strided_slice %rsqrt3A {offsets = [0, 0], sizes = [10000, 1], strides = [1, 1]} : vector<10240x1xf32> to vector<10000x1xf32>
    %mul3A = vector.broadcast %slice3A_10 : vector<10000x1xf32> to vector<10000x128xf32>
    %mul3A_11 = arith.mulf %get3A_9, %mul3A : vector<10000x128xf32>
    %swap3A = arith.constant 0 : index
    %swap3A_12 = arith.constant 0 : index
    %swap3A_13 = vector.load %arg2[%swap3A, %swap3A_12] : memref<10240x128xf32, #tpu.memory_space<vmem>>, vector<10000x128xf32>
    tpu.vector_store %arg2[%swap3A, %swap3A_12], %mul3A_11 {strides = array<i32>} : memref<10240x128xf32, #tpu.memory_space<vmem>>, vector<10000x128xf32>,
    %broadcast_in_dim3A_14 = arith.constant 0.000000e+00 : f32
    %broadcast_in_dim3A_15 = vector.broadcast %broadcast_in_dim3A_14 : f32 to vector<240x128xf32>
    %swap3A_16 = arith.constant 10000 : index
    %swap3A_17 = arith.constant 0 : index
    %swap3A_18 = vector.load %arg2[%swap3A_16, %swap3A_17] : memref<10240x128xf32, #tpu.memory_space<vmem>>, vector<240x128xf32>
    tpu.vector_store %arg2[%swap3A_16, %swap3A_17], %broadcast_in_dim3A_15 {strides = array<i32>} : memref<10240x128xf32, #tpu.memory_space<vmem>>, vector<240x128xf32>,
    return
  }
}

module attributes {stable_mosaic.version = 14 : i64} {
  func.func @_dense_body(%arg0: i32, %arg1: memref<2x10240x128xf32, #tpu.memory_space<vmem>>, %arg2: memref<2x10240x1xf32, #tpu.memory_space<vmem>>, %arg3: memref<10000x128xf32, #tpu.memory_space<vmem>>, %arg4: memref<128x128xf32, #tpu.memory_space<vmem>>, %arg5: memref<1x128xf32, #tpu.memory_space<vmem>>, %arg6: memref<1x128xf32, #tpu.memory_space<vmem>>, %arg7: memref<1x128xf32, #tpu.memory_space<vmem>>, %arg8: memref<128x32xf32, #tpu.memory_space<vmem>>, %arg9: memref<1x32xf32, #tpu.memory_space<vmem>>, %arg10: memref<1x32xf32, #tpu.memory_space<vmem>>, %arg11: memref<1x32xf32, #tpu.memory_space<vmem>>, %arg12: memref<128x3200xf32, #tpu.memory_space<vmem>>, %arg13: memref<3200x128xf32, #tpu.memory_space<vmem>>) attributes {dimension_semantics = [#tpu.dimension_semantics<arbitrary>], iteration_bounds = array<i64: 25>, scalar_prefetch = 0 : i64, scratch_operands = 1 : i64, tpu.core_type = #tpu.core_type<tc>, window_params = [{pipeline_mode = #tpu.pipeline_mode<synchronous>, transform_indices = @transform_0, window_bounds = array<i64: 2, 10240, 128>}, {pipeline_mode = #tpu.pipeline_mode<synchronous>, transform_indices = @transform_1, window_bounds = array<i64: 2, 10240, 1>}, {pipeline_mode = #tpu.pipeline_mode<synchronous>, transform_indices = @transform_2, window_bounds = array<i64: 10000, 128>}, {pipeline_mode = #tpu.pipeline_mode<synchronous>, transform_indices = @transform_3, window_bounds = array<i64: 128, 128>}, {pipeline_mode = #tpu.pipeline_mode<synchronous>, transform_indices = @transform_4, window_bounds = array<i64: 1, 128>}, {pipeline_mode = #tpu.pipeline_mode<synchronous>, transform_indices = @transform_5, window_bounds = array<i64: 1, 128>}, {pipeline_mode = #tpu.pipeline_mode<synchronous>, transform_indices = @transform_6, window_bounds = array<i64: 1, 128>}, {pipeline_mode = #tpu.pipeline_mode<synchronous>, transform_indices = @transform_7, window_bounds = array<i64: 128, 32>}, {pipeline_mode = #tpu.pipeline_mode<synchronous>, transform_indices = @transform_8, window_bounds = array<i64: 1, 32>}, {pipeline_mode = #tpu.pipeline_mode<synchronous>, transform_indices = @transform_9, window_bounds = array<i64: 1, 32>}, {pipeline_mode = #tpu.pipeline_mode<synchronous>, transform_indices = @transform_10, window_bounds = array<i64: 1, 32>}, {transform_indices = @transform_11, window_bounds = array<i64: 128, 3200>}]} {
    %eq3A = arith.constant 0 : i32
    %eq3A_0 = arith.cmpi eq, %arg0, %eq3A : i32
    %convert_element_type3A = arith.extui %eq3A_0 : i1 to i32
    %cond3A = arith.constant 0 : i32
    %cond3A_1 = arith.cmpi ne, %convert_element_type3A, %cond3A : i32
    scf.if %cond3A_1 {
      %get3A_14 = arith.constant 0 : index
      %get3A_15 = arith.constant 0 : index
      %get3A_16 = arith.constant 0 : index
      %get3A_17 = vector.load %arg1[%get3A_14, %get3A_15, %get3A_16] : memref<2x10240x128xf32, #tpu.memory_space<vmem>>, vector<2x10240x128xf32>
      %get3A_18 = arith.constant 0 : index
      %get3A_19 = arith.constant 0 : index
      %get3A_20 = arith.constant 0 : index
      %get3A_21 = vector.load %arg2[%get3A_18, %get3A_19, %get3A_20] : memref<2x10240x1xf32, #tpu.memory_space<vmem>>, vector<2x10240x1xf32>
      %slice3A = vector.extract_strided_slice %get3A_21 {offsets = [0, 0, 0], sizes = [1, 10240, 1], strides = [1, 1, 1]} : vector<2x10240x1xf32> to vector<1x10240x1xf32>
      %squeeze3A = vector.shape_cast %slice3A : vector<1x10240x1xf32> to vector<10240x1xf32>
      %slice3A_22 = vector.extract_strided_slice %get3A_21 {offsets = [1, 0, 0], sizes = [1, 10240, 1], strides = [1, 1, 1]} : vector<2x10240x1xf32> to vector<1x10240x1xf32>
      %squeeze3A_23 = vector.shape_cast %slice3A_22 : vector<1x10240x1xf32> to vector<10240x1xf32>
      %add3A = arith.addf %squeeze3A, %squeeze3A_23 : vector<10240x1xf32>
      %gt3A = arith.constant 0.000000e+00 : f32
      %gt3A_24 = vector.broadcast %gt3A : f32 to vector<10240x1xf32>
      %gt3A_25 = arith.cmpf ogt, %add3A, %gt3A_24 : vector<10240x1xf32>
      %jit3A = arith.constant 1.000000e+00 : f32
      %broadcast_in_dim3A = vector.broadcast %jit3A : f32 to vector<10240x1xf32>
      %select_n3A = arith.select %gt3A_25, %add3A, %broadcast_in_dim3A : vector<10240x1xi1>, vector<10240x1xf32>
      %rsqrt3A = math.rsqrt %select_n3A : vector<10240x1xf32>
      %slice3A_26 = vector.extract_strided_slice %get3A_17 {offsets = [0, 0, 0], sizes = [1, 10240, 128], strides = [1, 1, 1]} : vector<2x10240x128xf32> to vector<1x10240x128xf32>
      %squeeze3A_27 = vector.shape_cast %slice3A_26 : vector<1x10240x128xf32> to vector<10240x128xf32>
      %slice3A_28 = vector.extract_strided_slice %get3A_17 {offsets = [1, 0, 0], sizes = [1, 10240, 128], strides = [1, 1, 1]} : vector<2x10240x128xf32> to vector<1x10240x128xf32>
      %squeeze3A_29 = vector.shape_cast %slice3A_28 : vector<1x10240x128xf32> to vector<10240x128xf32>
      %add3A_30 = arith.addf %squeeze3A_27, %squeeze3A_29 : vector<10240x128xf32>
      %slice3A_31 = vector.extract_strided_slice %add3A_30 {offsets = [0, 0], sizes = [10000, 128], strides = [1, 1]} : vector<10240x128xf32> to vector<10000x128xf32>
      %slice3A_32 = vector.extract_strided_slice %rsqrt3A {offsets = [0, 0], sizes = [10000, 1], strides = [1, 1]} : vector<10240x1xf32> to vector<10000x1xf32>
      %mul3A_33 = vector.broadcast %slice3A_32 : vector<10000x1xf32> to vector<10000x128xf32>
      %mul3A_34 = arith.mulf %slice3A_31, %mul3A_33 : vector<10000x128xf32>
      %get3A_35 = arith.constant 0 : index
      %get3A_36 = arith.constant 0 : index
      %get3A_37 = vector.load %arg4[%get3A_35, %get3A_36] : memref<128x128xf32, #tpu.memory_space<vmem>>, vector<128x128xf32>
      %dot_general3A_38 = arith.constant dense<0.000000e+00> : vector<10000x128xf32>
      %dot_general3A_39 = tpu.matmul %mul3A_34, %get3A_37, %dot_general3A_38 {dimension_numbers = #tpu.dot_dimension_numbers<[1], [0], [0], [1], [0, 0, 1, 1], [], []>, transpose_lhs_hint = false} : vector<10000x128xf32>, vector<128x128xf32>, vector<10000x128xf32> -> vector<10000x128xf32>
      %get3A_40 = arith.constant 0 : index
      %get3A_41 = arith.constant 0 : index
      %get3A_42 = vector.load %arg5[%get3A_40, %get3A_41] : memref<1x128xf32, #tpu.memory_space<vmem>>, vector<1x128xf32>
      %add3A_43 = vector.broadcast %get3A_42 : vector<1x128xf32> to vector<10000x128xf32>
      %add3A_44 = arith.addf %dot_general3A_39, %add3A_43 : vector<10000x128xf32>
      %reduce_sum3A = arith.constant dense<0.000000e+00> : vector<128xf32>
      %reduce_sum3A_45 = vector.multi_reduction <add>, %add3A_44, %reduce_sum3A [0] : vector<10000x128xf32> to vector<128xf32>
      %broadcast_in_dim3A_46 = vector.shape_cast %reduce_sum3A_45 : vector<128xf32> to vector<1x128xf32>
      %div3A = arith.constant 1.000000e+04 : f32
      %div3A_47 = vector.broadcast %div3A : f32 to vector<1x128xf32>
      %div3A_48 = arith.divf %broadcast_in_dim3A_46, %div3A_47 : vector<1x128xf32>
      %sub3A = vector.broadcast %div3A_48 : vector<1x128xf32> to vector<10000x128xf32>
      %sub3A_49 = arith.subf %add3A_44, %sub3A : vector<10000x128xf32>
      %mul3A_50 = arith.mulf %sub3A_49, %sub3A_49 : vector<10000x128xf32>
      %reduce_sum3A_51 = arith.constant dense<0.000000e+00> : vector<128xf32>
      %reduce_sum3A_52 = vector.multi_reduction <add>, %mul3A_50, %reduce_sum3A_51 [0] : vector<10000x128xf32> to vector<128xf32>
      %broadcast_in_dim3A_53 = vector.shape_cast %reduce_sum3A_52 : vector<128xf32> to vector<1x128xf32>
      %div3A_54 = arith.constant 1.000000e+04 : f32
      %div3A_55 = vector.broadcast %div3A_54 : f32 to vector<1x128xf32>
      %div3A_56 = arith.divf %broadcast_in_dim3A_53, %div3A_55 : vector<1x128xf32>
      %add3A_57 = arith.constant 9.99999974E-6 : f32
      %add3A_58 = vector.broadcast %add3A_57 : f32 to vector<1x128xf32>
      %add3A_59 = arith.addf %div3A_56, %add3A_58 : vector<1x128xf32>
      %sqrt3A = math.sqrt %add3A_59 : vector<1x128xf32>
      %div3A_60 = vector.broadcast %sqrt3A : vector<1x128xf32> to vector<10000x128xf32>
      %div3A_61 = arith.divf %sub3A_49, %div3A_60 : vector<10000x128xf32>
      %get3A_62 = arith.constant 0 : index
      %get3A_63 = arith.constant 0 : index
      %get3A_64 = vector.load %arg6[%get3A_62, %get3A_63] : memref<1x128xf32, #tpu.memory_space<vmem>>, vector<1x128xf32>
      %mul3A_65 = vector.broadcast %get3A_64 : vector<1x128xf32> to vector<10000x128xf32>
      %mul3A_66 = arith.mulf %div3A_61, %mul3A_65 : vector<10000x128xf32>
      %get3A_67 = arith.constant 0 : index
      %get3A_68 = arith.constant 0 : index
      %get3A_69 = vector.load %arg7[%get3A_67, %get3A_68] : memref<1x128xf32, #tpu.memory_space<vmem>>, vector<1x128xf32>
      %add3A_70 = vector.broadcast %get3A_69 : vector<1x128xf32> to vector<10000x128xf32>
      %add3A_71 = arith.addf %mul3A_66, %add3A_70 : vector<10000x128xf32>
      %max3A = arith.constant 0.000000e+00 : f32
      %max3A_72 = vector.broadcast %max3A : f32 to vector<10000x128xf32>
      %max3A_73 = arith.maximumf %add3A_71, %max3A_72 : vector<10000x128xf32>
      %get3A_74 = arith.constant 0 : index
      %get3A_75 = arith.constant 0 : index
      %get3A_76 = vector.load %arg3[%get3A_74, %get3A_75] : memref<10000x128xf32, #tpu.memory_space<vmem>>, vector<10000x128xf32>
      %add3A_77 = arith.addf %max3A_73, %get3A_76 : vector<10000x128xf32>
      %get3A_78 = arith.constant 0 : index
      %get3A_79 = arith.constant 0 : index
      %get3A_80 = vector.load %arg8[%get3A_78, %get3A_79] : memref<128x32xf32, #tpu.memory_space<vmem>>, vector<128x32xf32>
      %dot_general3A_81 = arith.constant dense<0.000000e+00> : vector<10000x32xf32>
      %dot_general3A_82 = tpu.matmul %mul3A_34, %get3A_80, %dot_general3A_81 {dimension_numbers = #tpu.dot_dimension_numbers<[1], [0], [0], [1], [0, 0, 1, 1], [], []>, transpose_lhs_hint = false} : vector<10000x128xf32>, vector<128x32xf32>, vector<10000x32xf32> -> vector<10000x32xf32>
      %get3A_83 = arith.constant 0 : index
      %get3A_84 = arith.constant 0 : index
      %get3A_85 = vector.load %arg9[%get3A_83, %get3A_84] : memref<1x32xf32, #tpu.memory_space<vmem>>, vector<1x32xf32>
      %add3A_86 = vector.broadcast %get3A_85 : vector<1x32xf32> to vector<10000x32xf32>
      %add3A_87 = arith.addf %dot_general3A_82, %add3A_86 : vector<10000x32xf32>
      %reduce_sum3A_88 = arith.constant dense<0.000000e+00> : vector<32xf32>
      %reduce_sum3A_89 = vector.multi_reduction <add>, %add3A_87, %reduce_sum3A_88 [0] : vector<10000x32xf32> to vector<32xf32>
      %broadcast_in_dim3A_90 = vector.shape_cast %reduce_sum3A_89 : vector<32xf32> to vector<1x32xf32>
      %div3A_91 = arith.constant 1.000000e+04 : f32
      %div3A_92 = vector.broadcast %div3A_91 : f32 to vector<1x32xf32>
      %div3A_93 = arith.divf %broadcast_in_dim3A_90, %div3A_92 : vector<1x32xf32>
      %sub3A_94 = vector.broadcast %div3A_93 : vector<1x32xf32> to vector<10000x32xf32>
      %sub3A_95 = arith.subf %add3A_87, %sub3A_94 : vector<10000x32xf32>
      %mul3A_96 = arith.mulf %sub3A_95, %sub3A_95 : vector<10000x32xf32>
      %reduce_sum3A_97 = arith.constant dense<0.000000e+00> : vector<32xf32>
      %reduce_sum3A_98 = vector.multi_reduction <add>, %mul3A_96, %reduce_sum3A_97 [0] : vector<10000x32xf32> to vector<32xf32>
      %broadcast_in_dim3A_99 = vector.shape_cast %reduce_sum3A_98 : vector<32xf32> to vector<1x32xf32>
      %div3A_100 = arith.constant 1.000000e+04 : f32
      %div3A_101 = vector.broadcast %div3A_100 : f32 to vector<1x32xf32>
      %div3A_102 = arith.divf %broadcast_in_dim3A_99, %div3A_101 : vector<1x32xf32>
      %add3A_103 = arith.constant 9.99999974E-6 : f32
      %add3A_104 = vector.broadcast %add3A_103 : f32 to vector<1x32xf32>
      %add3A_105 = arith.addf %div3A_102, %add3A_104 : vector<1x32xf32>
      %sqrt3A_106 = math.sqrt %add3A_105 : vector<1x32xf32>
      %div3A_107 = vector.broadcast %sqrt3A_106 : vector<1x32xf32> to vector<10000x32xf32>
      %div3A_108 = arith.divf %sub3A_95, %div3A_107 : vector<10000x32xf32>
      %get3A_109 = arith.constant 0 : index
      %get3A_110 = arith.constant 0 : index
      %get3A_111 = vector.load %arg10[%get3A_109, %get3A_110] : memref<1x32xf32, #tpu.memory_space<vmem>>, vector<1x32xf32>
      %mul3A_112 = vector.broadcast %get3A_111 : vector<1x32xf32> to vector<10000x32xf32>
      %mul3A_113 = arith.mulf %div3A_108, %mul3A_112 : vector<10000x32xf32>
      %get3A_114 = arith.constant 0 : index
      %get3A_115 = arith.constant 0 : index
      %get3A_116 = vector.load %arg11[%get3A_114, %get3A_115] : memref<1x32xf32, #tpu.memory_space<vmem>>, vector<1x32xf32>
      %add3A_117 = vector.broadcast %get3A_116 : vector<1x32xf32> to vector<10000x32xf32>
      %add3A_118 = arith.addf %mul3A_113, %add3A_117 : vector<10000x32xf32>
      %max3A_119 = arith.constant 0.000000e+00 : f32
      %max3A_120 = vector.broadcast %max3A_119 : f32 to vector<10000x32xf32>
      %max3A_121 = arith.maximumf %add3A_118, %max3A_120 : vector<10000x32xf32>
      %reduce_max3A = arith.constant dense<0xFF800000> : vector<10000xf32>
      %reduce_max3A_122 = vector.multi_reduction <maximumf>, %max3A_121, %reduce_max3A [1] : vector<10000x32xf32> to vector<10000xf32>
      %broadcast_in_dim3A_123 = vector.shape_cast %reduce_max3A_122 : vector<10000xf32> to vector<10000x1xf32>
      %sub3A_124 = vector.broadcast %broadcast_in_dim3A_123 : vector<10000x1xf32> to vector<10000x32xf32>
      %sub3A_125 = arith.subf %max3A_121, %sub3A_124 : vector<10000x32xf32>
      %exp3A = math.exp %sub3A_125 : vector<10000x32xf32>
      %reduce_sum3A_126 = arith.constant dense<0.000000e+00> : vector<10000xf32>
      %reduce_sum3A_127 = vector.multi_reduction <add>, %exp3A, %reduce_sum3A_126 [1] : vector<10000x32xf32> to vector<10000xf32>
      %broadcast_in_dim3A_128 = vector.shape_cast %reduce_sum3A_127 : vector<10000xf32> to vector<10000x1xf32>
      %div3A_129 = vector.broadcast %broadcast_in_dim3A_128 : vector<10000x1xf32> to vector<10000x32xf32>
      %div3A_130 = arith.divf %exp3A, %div3A_129 : vector<10000x32xf32>
      %reshape3A = vector.shape_cast %add3A_77 : vector<10000x128xf32> to vector<100x100x128xf32>
      %reshape3A_131 = vector.shape_cast %div3A_130 : vector<10000x32xf32> to vector<100x100x32xf32>
      %dot_general3A_132 = arith.constant dense<0.000000e+00> : vector<100x32x128xf32>
      %dot_general3A_133 = tpu.matmul %reshape3A_131, %reshape3A, %dot_general3A_132 {dimension_numbers = #tpu.dot_dimension_numbers<[1], [1], [2], [2], [0, 0, 0, 2, 1, 2], [0], [0]>, transpose_lhs_hint = false} : vector<100x100x32xf32>, vector<100x100x128xf32>, vector<100x32x128xf32> -> vector<100x32x128xf32>
      %reshape3A_134 = vector.shape_cast %dot_general3A_133 : vector<100x32x128xf32> to vector<3200x128xf32>
      %swap3A_135 = arith.constant 0 : index
      %swap3A_136 = arith.constant 0 : index
      %swap3A_137 = vector.load %arg13[%swap3A_135, %swap3A_136] : memref<3200x128xf32, #tpu.memory_space<vmem>>, vector<3200x128xf32>
      tpu.vector_store %arg13[%swap3A_135, %swap3A_136], %reshape3A_134 {strides = array<i32>} : memref<3200x128xf32, #tpu.memory_space<vmem>>, vector<3200x128xf32>,
    } else {
    }
    %mul3A = arith.constant 128 : i32
    %mul3A_2 = arith.muli %arg0, %mul3A : i32
    %get3A = arith.index_cast %mul3A_2 : i32 to index
    %get3A_3 = arith.constant 0 : index
    %get3A_4 = vector.load %arg13[%get3A, %get3A_3] : memref<3200x128xf32, #tpu.memory_space<vmem>>, vector<128x128xf32>
    %get3A_5 = arith.constant 0 : index
    %get3A_6 = arith.constant 0 : index
    %get3A_7 = vector.load %arg13[%get3A_5, %get3A_6] : memref<3200x128xf32, #tpu.memory_space<vmem>>, vector<3200x128xf32>
    %dot_general3A = arith.constant dense<0.000000e+00> : vector<128x3200xf32>
    %dot_general3A_8 = tpu.matmul %get3A_4, %get3A_7, %dot_general3A {dimension_numbers = #tpu.dot_dimension_numbers<[1], [1], [0], [0], [0, 0, 1, 0], [], []>, transpose_lhs_hint = false} : vector<128x128xf32>, vector<3200x128xf32>, vector<128x3200xf32> -> vector<128x3200xf32>
    %mul3A_9 = arith.constant 0.0176776703 : f32
    %mul3A_10 = vector.broadcast %mul3A_9 : f32 to vector<128x3200xf32>
    %mul3A_11 = arith.mulf %dot_general3A_8, %mul3A_10 : vector<128x3200xf32>
    %swap3A = arith.constant 0 : index
    %swap3A_12 = arith.constant 0 : index
    %swap3A_13 = vector.load %arg12[%swap3A, %swap3A_12] : memref<128x3200xf32, #tpu.memory_space<vmem>>, vector<128x3200xf32>
    tpu.vector_store %arg12[%swap3A, %swap3A_12], %mul3A_11 {strides = array<i32>} : memref<128x3200xf32, #tpu.memory_space<vmem>>, vector<128x3200xf32>,
    return
  }
  func.func @transform_0(%arg0: i32) -> (i32, i32, i32) {
    %c0_i32 = arith.constant 0 : i32
    %c0_i32_0 = arith.constant 0 : i32
    %c0_i32_1 = arith.constant 0 : i32
    %c0_i32_2 = arith.constant 0 : i32
    return %c0_i32, %c0_i32_0, %c0_i32_1 : i32, i32, i32
  }
  func.func @transform_1(%arg0: i32) -> (i32, i32, i32) {
    %c0_i32 = arith.constant 0 : i32
    %c0_i32_0 = arith.constant 0 : i32
    %c0_i32_1 = arith.constant 0 : i32
    %c0_i32_2 = arith.constant 0 : i32
    return %c0_i32, %c0_i32_0, %c0_i32_1 : i32, i32, i32
  }
  func.func @transform_2(%arg0: i32) -> (i32, i32) {
    %c0_i32 = arith.constant 0 : i32
    %c0_i32_0 = arith.constant 0 : i32
    %c0_i32_1 = arith.constant 0 : i32
    return %c0_i32, %c0_i32_0 : i32, i32
  }
  func.func @transform_3(%arg0: i32) -> (i32, i32) {
    %c0_i32 = arith.constant 0 : i32
    %c0_i32_0 = arith.constant 0 : i32
    %c0_i32_1 = arith.constant 0 : i32
    return %c0_i32, %c0_i32_0 : i32, i32
  }
  func.func @transform_4(%arg0: i32) -> (i32, i32) {
    %c0_i32 = arith.constant 0 : i32
    %c0_i32_0 = arith.constant 0 : i32
    %c0_i32_1 = arith.constant 0 : i32
    return %c0_i32, %c0_i32_0 : i32, i32
  }
  func.func @transform_5(%arg0: i32) -> (i32, i32) {
    %c0_i32 = arith.constant 0 : i32
    %c0_i32_0 = arith.constant 0 : i32
    %c0_i32_1 = arith.constant 0 : i32
    return %c0_i32, %c0_i32_0 : i32, i32
  }
  func.func @transform_6(%arg0: i32) -> (i32, i32) {
    %c0_i32 = arith.constant 0 : i32
    %c0_i32_0 = arith.constant 0 : i32
    %c0_i32_1 = arith.constant 0 : i32
    return %c0_i32, %c0_i32_0 : i32, i32
  }
  func.func @transform_7(%arg0: i32) -> (i32, i32) {
    %c0_i32 = arith.constant 0 : i32
    %c0_i32_0 = arith.constant 0 : i32
    %c0_i32_1 = arith.constant 0 : i32
    return %c0_i32, %c0_i32_0 : i32, i32
  }
  func.func @transform_8(%arg0: i32) -> (i32, i32) {
    %c0_i32 = arith.constant 0 : i32
    %c0_i32_0 = arith.constant 0 : i32
    %c0_i32_1 = arith.constant 0 : i32
    return %c0_i32, %c0_i32_0 : i32, i32
  }
  func.func @transform_9(%arg0: i32) -> (i32, i32) {
    %c0_i32 = arith.constant 0 : i32
    %c0_i32_0 = arith.constant 0 : i32
    %c0_i32_1 = arith.constant 0 : i32
    return %c0_i32, %c0_i32_0 : i32, i32
  }
  func.func @transform_10(%arg0: i32) -> (i32, i32) {
    %c0_i32 = arith.constant 0 : i32
    %c0_i32_0 = arith.constant 0 : i32
    %c0_i32_1 = arith.constant 0 : i32
    return %c0_i32, %c0_i32_0 : i32, i32
  }
  func.func @transform_11(%arg0: i32) -> (i32, i32) {
    %c0_i32 = arith.constant 0 : i32
    %c0_i32_0 = arith.constant 0 : i32
    return %arg0, %c0_i32 : i32, i32
  }
}

</mosaic_0001>

<sc_bundles>
// kernel: kernel.6.cloned.1.call-start
scs
__scs_entry_jumppad:
0x0: {  	(pc) =	sbr.rel $0x88, $3  }
0x1: {  	(tag) =	ssettag $0x0;
	lr =	simm.s32 $0x1  }
0x2: {  	[smem:$0x3F97] =	sst lr;
	_ =	strace $0xD0000000  }
0x3: {  	_ = 	snop  }
0x4: {  	_ = 	snop  }
0x5: {  	_ = 	snop  }
0x6: {  	_ = 	snop  }
0x7: {  	_ = 	snop  }
__scs_overlays_trampoline_lowered:
0x8: {  	[smem:$0x3FA6] =	sst s0  }
0x9: {  	[smem:$0x3FA7] =	sst s1  }
0xa: {  	[smem:$0x3FA8] =	sst s2  }
0xb: {  	[smem:$0x3FA9] =	sst s3  }
0xc: {  	[smem:$0x3FAA] =	sst s4  }
0xd: {  	[smem:$0x3FAB] =	sst s5  }
0xe: {  	[smem:$0x3FAC] =	sst s6  }
0xf: {  	[smem:$0x3FAD] =	sst s7  }
0x10: {  	[smem:$0x3FAE] =	sst s8  }
0x11: {  	[smem:$0x3FAF] =	sst s9;
	s0 =	simm.s32 @!p0 $0x0  }
0x12: {  	s1 =	sld [smem:$0x3F95];
	s0 =	simm.s32 @p0 $0x1  }
0x13: {  	[smem:$0x3FB0] =	sst s0;
	s0 =	simm.s32 @!p1 $0x0  }
0x14: {  	s2 =	sld [smem:$0x3F94];
	s0 =	simm.s32 @p1 $0x1  }
0x15: {  	[smem:$0x3FB1] =	sst s0;
	s0 =	simm.s32 @!p2 $0x0  }
0x16: {  	s3 =	sld [smem:$0x3FDB];
	s0 =	simm.s32 @p2 $0x1  }
0x17: {  	s4 =	simm.s32 $0x1BF5;
	[smem:$0x3FB3] =	sst s0  }
0x18: {  	s0 =	sld [smem:$0x3F96];
	_ =	swait.ge [sflag:s4], $0x0  }
0x19: {  	s7 =	sld [smem:$0x3F97]  }
0x1a: {  	s8 =	sadd.s32 $0xFFFFE003, lr  }
0x1b: {  	s9 =	sadd.s32 $0xFFFFFEF7, lr;
	s5 =	simm.s32 $0xFFFFFFFF;
	p2 =	slt.u32 s8, $0xFFFFF086  }
0x1c: {  	p1 =	slt.u32 s9, $0xF7A;
	s5 =	simm.s32 @!p2 $0x0  }
0x1d: {  	s5 =	simm.s32 @p1 $0x1;
	p0 =	seq.s32 s7, s2  }
0x1e: {  	s7 =	smul.u32 @!p0 $0xF7A, s2;
	p2 =	seq.s32 @!p0 s5, $0x0  }
0x1f: {  	s9 =	smul.u32 $0xF7A, s1;
	s8 =	simm.s32 @!p0 $0x1BF5;
	p2 =	por !p2, p0  }
0x20: {  	[sflag:s8] =	ssyncset.s32 @!p0 $0xFFFFF086;
	s6 =	sadd.s32 @!p0 s3, s7;
	s7 =	simm.s32 @!p0 $0x108  }
0x21: {  	s3 =	sadd.s32 s3, s9;
	s6 =	sadd.s32 @!p0 $0x88, s6;
	s7 =	simm.s32 @p2 $0x1082  }
0x22: {  	[simem:s7], [sflag:s8] =	dma.local @!p0 [hbm:s6], $0xF7A  }
0x23: {  	s9 =	sor.u32 $0xD0000000, s2;
	s6 =	simm.s32 $0x108;
	_ =	swait.ge @!p0 [sflag:s8], $0x0  }
0x24: {  	s3 =	sadd.s32 $0x88, s3;
	s6 =	simm.s32 @!p1 $0x1082;
	[sflag:s4] =	ssyncset.s32 $0xFFFFF086  }
0x25: {  	[simem:s6], [sflag:s4] =	dma.local [hbm:s3], $0xF7A  }
0x26: {  	[smem:$0x3F97] =	sst s1;
	(tag) =	ssettag s2;
	_ =	strace s9  }
0x27: {  	s1 =	sld [smem:$0x3FA7]  }
0x28: {  	s2 =	sld [smem:$0x3FA8]  }
0x29: {  	s4 =	sld [smem:$0x3FAA]  }
0x2a: {  	p0 =	seq.s32 s5, $0x0;
	s5 =	sld [smem:$0x3FAB]  }
0x2b: {  	s6 =	sld [smem:$0x3FAC]  }
0x2c: {  	s7 =	sld [smem:$0x3FAD]  }
0x2d: {  	s3 =	simm.s32 $0x108;
	s8 =	sld [smem:$0x3FAE]  }
0x2e: {  	s3 =	simm.s32 @!p0 $0x1082;
	s9 =	sld [smem:$0x3FAF]  }
0x2f: {  	lr =	sadd.s32 s0, s3;
	s0 =	sld [smem:$0x3FA6]  }
0x30: {  	s3 =	sld [smem:$0x3FA9]  }
0x31: {  	[smem:$0x3FB2] =	sst s10  }
0x32: {  	s10 =	sld [smem:$0x3FB0];
	_ =	sdelay $0x3  }
0x33: {  	p0 =	seq.s32 s10, $0x1;
	s10 =	sld [smem:$0x3FB2];
	_ =	sdelay $0x3  }
0x34: {  	[smem:$0x3FB2] =	sst s10  }
0x35: {  	s10 =	sld [smem:$0x3FB1];
	_ =	sdelay $0x3  }
0x36: {  	p1 =	seq.s32 s10, $0x1;
	s10 =	sld [smem:$0x3FB2];
	_ =	sdelay $0x3  }
0x37: {  	[smem:$0x3FB2] =	sst s10  }
0x38: {  	s10 =	sld [smem:$0x3FB3]  }
0x39: {  	_ = 	snop;
	(pc) =	sbr.ind lr, $3  }
0x3a: {  	_ = 	snop  }
0x3b: {  	_ = 	snop  }
0x3c: {  	p2 =	seq.s32 s10, $0x1;
	s10 =	sld [smem:$0x3FB2]  }
0x3d: {  	_ =	shalt  }
0x3e: {  	_ =	shalt  }
0x3f: {  	_ =	shalt  }
0x40: {  	_ =	shalt  }
0x41: {  	_ =	shalt  }
0x42: {  	_ =	shalt  }
0x43: {  	_ =	shalt  }
0x44: {  	_ =	shalt  }
0x45: {  	_ =	shalt  }
0x46: {  	_ =	shalt  }
0x47: {  	_ =	shalt  }
0x48: {  	_ =	shalt  }
0x49: {  	_ =	shalt  }
0x4a: {  	_ =	shalt  }
0x4b: {  	_ =	shalt  }
0x4c: {  	_ =	shalt  }
0x4d: {  	_ =	shalt  }
0x4e: {  	_ =	shalt  }
0x4f: {  	_ =	shalt  }
0x50: {  	_ =	shalt  }
0x51: {  	_ =	shalt  }
0x52: {  	_ =	shalt  }
0x53: {  	_ =	shalt  }
0x54: {  	_ =	shalt  }
0x55: {  	_ =	shalt  }
0x56: {  	_ =	shalt  }
0x57: {  	_ =	shalt  }
0x58: {  	_ =	shalt  }
0x59: {  	_ =	shalt  }
0x5a: {  	_ =	shalt  }
0x5b: {  	_ =	shalt  }
0x5c: {  	_ =	shalt  }
0x5d: {  	_ =	shalt  }
0x5e: {  	_ =	shalt  }
0x5f: {  	_ =	shalt  }
0x60: {  	_ =	shalt  }
0x61: {  	_ =	shalt  }
0x62: {  	_ =	shalt  }
0x63: {  	_ =	shalt  }
0x64: {  	_ =	shalt  }
0x65: {  	_ =	shalt  }
0x66: {  	_ =	shalt  }
0x67: {  	_ =	shalt  }
0x68: {  	_ =	shalt  }
0x69: {  	_ =	shalt  }
0x6a: {  	_ =	shalt  }
0x6b: {  	_ =	shalt  }
0x6c: {  	_ =	shalt  }
0x6d: {  	_ =	shalt  }
0x6e: {  	_ =	shalt  }
0x6f: {  	_ =	shalt  }
0x70: {  	_ =	shalt  }
0x71: {  	_ =	shalt  }
0x72: {  	_ =	shalt  }
0x73: {  	_ =	shalt  }
0x74: {  	_ =	shalt  }
0x75: {  	_ =	shalt  }
0x76: {  	_ =	shalt  }
0x77: {  	_ =	shalt  }
0x78: {  	_ =	shalt  }
0x79: {  	_ =	shalt  }
0x7a: {  	_ =	shalt  }
0x7b: {  	_ =	shalt  }
0x7c: {  	_ =	shalt  }
0x7d: {  	_ =	shalt  }
0x7e: {  	_ =	shalt  }
0x7f: {  	_ =	shalt  }
0x80: {  	_ =	shalt  }
0x81: {  	_ =	shalt  }
0x82: {  	_ =	shalt  }
0x83: {  	_ =	shalt  }
0x84: {  	_ =	shalt  }
0x85: {  	_ =	shalt  }
0x86: {  	_ =	shalt  }
0x87: {  	_ =	shalt  }
.Lfunc_end0:
.L_simem_size_0:
called_computation_lowered:
.L_overlay_start_0:
0x88: {  	s2 =	sld [smem:$0x3FD9]  }
0x89: {  	s3 =	sld [smem:$0x3FFE];
	_ =	sdelay $0x1  }
0x8a: {  	s1 =	srdreg.scid  }
0x8b: {  	s0 =	sand.u32 $0x1, s1  }
0x8c: {  	s17 =	sshll.u32 s0, $0xA;
	s2 =	sadd.s32 s3, s2  }
0x8d: {  	s2 =	sadd.s32 s2, s17  }
0x8e: {  	[smem:$0x3FBE] =	sst s2  }
0x8f: {  	_ = 	snop  }
0x90: {  	s2 =	sld [smem:$0x3FD0];
	(tm) =	ssettm $0x1  }
0x91: {  	s18 =	sld [smem:$0x3FFB];
	_ =	sdelay $0x3  }
0x92: {  	_ =	strace s18  }
0x93: {  	s3 =	sld [smem:$0x3FFC];
	_ =	sdelay $0x3  }
0x94: {  	_ =	strace s3  }
0x95: {  	s3 =	sld [smem:$0x3FFD];
	_ =	sdelay $0x3  }
0x96: {  	_ =	strace s3  }
0x97: {  	_ =	strace $0x8FFFFFFF  }
0x98: {  	s19 =	sld [smem:$0x3FDB];
	_ =	sdelay $0x1  }
0x99: {  	s4 =	simm.s32 $_scs_section_size  }
0x9a: {  	s5 =	simm.s32 $_size__tile_overlayer_lowered;
	s6 =	simm.s32 $_tile_overlayer_lowered  }
0x9b: {  	s22 =	simm.s32 $0x1BFF;
	s21 =	sshll.u32 s6, $0x1;
	s3 =	sadd.s32 s4, s19  }
0x9c: {  	s7 =	simm.s32 $0x0;
	s20 =	sshll.u32 s5, $0x1;
	s5 =	sadd.s32 s21, s3  }
0x9d: {  	[timem:s7], [sflag:s22] =	dma.local [hbm:s5], s20  }
0x9e: {  	_ =	swait.ge [sflag:s22], s20  }
0x9f: {  	s4 =	ssub.s32 $0x0, s20;
	[sflag:s22] =	ssyncset.done $0x0  }
0xa0: {  	[sflag:s22] =	ssyncadd.s32 s4;
	_ =	sdelay $0x1  }
0xa1: {  	s23 =	simm.s32 $0x1B8B  }
0xa2: {  	_ =	swait.ge [sflag:s23], $0x1  }
0xa3: {  	[sflag:s23] =	ssyncset.done $0x0  }
0xa4: {  	s25 =	simm.s32 $0x1B8E;
	s24 =	sld [smem:$0x3FFE];
	[sflag:s23] =	ssyncadd.s32 $0xFFFFFFFF  }
0xa5: {  	s26 =	simm.s32 $execute0_lowered;
	[smem:$0x3FD2] =	sst s25  }
0xa6: {  	s5 =	sshll.u32 s26, $0x1;
	_ =	strace $0x80000046;
	[dreg:$0x1] =	wrdreg $0xFFFFFFFF  }
0xa7: {  	s28 =	simm.s32 $_size_execute0_lowered;
	s3 =	sadd.s32 s3, s5;
	[dreg:$0x0] =	wrdreg $0x0  }
0xa8: {  	s5 =	sshll.u32 s28, $0x1;
	[dreg:$0x2] =	wrdreg s3  }
0xa9: {  	[dreg:$0x3] =	wrdreg s5  }
0xaa: {  	[dreg:$0x4] =	wrdreg $0xC0  }
0xab: {  	_ =	task [dreg:s7], $0x5FFFF  }
0xac: {  	[dreg:$0x1] =	wrdreg $0xFFFFFFFF  }
0xad: {  	[dreg:$0x0] =	wrdreg $0x60  }
0xae: {  	[dreg:$0x2] =	wrdreg s24  }
0xaf: {  	[dreg:$0x3] =	wrdreg s2  }
0xb0: {  	[dreg:$0x4] =	wrdreg $0x7A800  }
0xb1: {  	[dreg:$0x5] =	wrdreg $0x7D000  }
0xb2: {  	[dreg:$0x6] =	wrdreg $0x9  }
0xb3: {  	_ =	task.clear_ibuf [dreg:s7], $0x7FFFF;
	_ =	strace $0x90000046  }
0xb4: {  	s29 =	simm.s32 $0x9;
	_ =	strace $0x80000048  }
0xb5: {  	_ =	swait.ge [sflag:s29], $0x1  }
0xb6: {  	[sflag:s29] =	ssyncadd.s32 $0xFFFFFFFF  }
0xb7: {  	_ =	strace $0x90000048  }
0xb8: {  	_ =	sfence  }
0xb9: {  	s30 =	sld [smem:$0x0];
	_ =	sdelay $0x2  }
0xba: {  	s31 =	sshll.u32 s1, $0xD;
	s1 =	sshrl.u32 s1, $0x2  }
0xbb: {  	s3 =	sand.u32 $0x4000, s31;
	s1 =	sadd.s32 s1, s30  }
0xbc: {  	s0 =	sor.u32 s3, s0;
	s1 =	sshll.u32 s1, $0x11  }
0xbd: {  	s0 =	sor.u32 s1, s0  }
0xbe: {  	s0 =	sadd.s32 $0x8F2B, s0  }
0xbf: {  	[sflag:s0] =	ssyncadd.remote.s32 $0x1  }
0xc0: {  	_ =	sfence.sel $0xFFFF  }
0xc1: {  	[dreg:$0x0] =	wrdreg $0xFFFFFFFF;
	(pc) =	sbr.abs _section_cstart, $3  }
0xc2: {  	[dreg:$0x1] =	wrdreg $0xFFFFFFFF  }
0xc3: {  	_ =	task.clear_ibuf [dreg:s7], $0x2FFFF;
	_ =	strace $0x9FFFFFFF  }
0xc4: {  	(tm) =	ssettm $0x7FFFFFFF  }
0xc5: {  	_ =	shalt  }
tec
execute0_lowered:
.L_overlay_start_1:
0x0: {  	(tag) =	ssettag $0x1  }
0x1: {  	s5 =	rddreg [dreg:$0x0]  }
0x2: {  	s9 =	rddreg [dreg:$0x1]  }
0x3: {  	s1 =	rddreg [dreg:$0x2]  }
0x4: {  	s2 =	rddreg [dreg:$0x3]  }
0x5: {  	s0 =	rddreg [dreg:$0x4];
	s4 =	simm.s32 $0x0  }
0x6: {  	s6 =	srdreg.scid;
	s3 =	stileid.u32;
	s15 =	simm.s32 $0x5000  }
0x7: {  	s18 =	simm.s32 $0x20;
	s19 =	simm.s32 $0x10;
	s21 =	simm.s32 $0x0  }
0x8: {  	[smem:$0x7FF] =	sst s4;
	s6 =	sand.u32 $0x1, s6;
	s8 =	smul.u32 $0x500, s3  }
0x9: {  	s7 =	sshll.u32 s3, $0x1;
	s11 =	smul.u32 $0x280, s3;
	s16 =	sshll.u32 s3, $0x6  }
0xa: {  	_ =	strace $0x80000047;
	s7 =	sor.u32 s6, s7;
	s10 =	sshll.u32 s6, $0x7  }
0xb: {  	s6 =	ssub.s32 $0x2, s6;
	s7 =	smul.u32 $0x500, s7;
	s8 =	sor.u32 s10, s8  }
0xc: {  	s16 =	sor.u32 $0x1C01, s16;
	s31 =	sshrl.u32 s6, $0x1;
	s10 =	sshrl.u32 s8, $0x3  }
0xd: {  	s14 =	ssub.s32 s6, s31;
	s6 =	sadd.s32 s11, s2;
	s12 =	sadd.s32 s7, s5  }
0xe: {  	s13 =	sadd.s32 s10, s5;
	s5 =	sadd.s32 s11, s1;
	s9 =	sadd.s32 s9, s10  }
0xf: {  	s11 =	smax.u32 s14, $0x1;
	s14 =	simm.s32 $0x2800;
	s20 =	sshrl.u32 s6, $0x3  }
0x10: {  	s7 =	sadd.s32 $0xC400, s12;
	s8 =	sadd.s32 $0x2400, s12;
	s10 =	sadd.s32 $0x16400, s13  }
0x11: {  	v0 =	vimm.f32 $0.0e+00;
	v1 =	vimm.f32 $1.000000000e+00;
	s12 =	simm.s32 $0x7800;
	s13 =	simm.s32 $0x1;
	s17 =	sshrl.u32 s5, $0x3  }
.LBB2_1:
0x12: {  	[tilespmem:$0x7800] =	vst v0  }
0x13: {  	[tilespmem:$0x7810] =	vst v0  }
0x14: {  	[tilespmem:$0x7820] =	vst v0  }
0x15: {  	[tilespmem:$0x7830] =	vst v0  }
0x16: {  	[tilespmem:$0x7840] =	vst v0  }
0x17: {  	[tilespmem:$0x7850] =	vst v0  }
0x18: {  	[tilespmem:$0x7860] =	vst v0  }
0x19: {  	[tilespmem:$0x7870] =	vst v0  }
0x1a: {  	[tilespmem:$0x7880] =	vst v0  }
0x1b: {  	[tilespmem:$0x7890] =	vst v0  }
0x1c: {  	[tilespmem:$0x78A0] =	vst v0  }
0x1d: {  	[tilespmem:$0x78B0] =	vst v0  }
0x1e: {  	[tilespmem:$0x78C0] =	vst v0  }
0x1f: {  	[tilespmem:$0x78D0] =	vst v0  }
0x20: {  	[tilespmem:$0x78E0] =	vst v0  }
0x21: {  	[tilespmem:$0x78F0] =	vst v0  }
0x22: {  	[tilespmem:$0x7900] =	vst v0  }
0x23: {  	[tilespmem:$0x7910] =	vst v0  }
0x24: {  	[tilespmem:$0x7920] =	vst v0  }
0x25: {  	[tilespmem:$0x7930] =	vst v0  }
0x26: {  	[tilespmem:$0x7940] =	vst v0  }
0x27: {  	[tilespmem:$0x7950] =	vst v0  }
0x28: {  	[tilespmem:$0x7960] =	vst v0  }
0x29: {  	[tilespmem:$0x7970] =	vst v0  }
0x2a: {  	[tilespmem:$0x7980] =	vst v0  }
0x2b: {  	[tilespmem:$0x7990] =	vst v0  }
0x2c: {  	[tilespmem:$0x79A0] =	vst v0  }
0x2d: {  	[tilespmem:$0x79B0] =	vst v0  }
0x2e: {  	[tilespmem:$0x79C0] =	vst v0  }
0x2f: {  	[tilespmem:$0x79D0] =	vst v0  }
0x30: {  	[tilespmem:$0x79E0] =	vst v0  }
0x31: {  	[tilespmem:$0x79F0] =	vst v0  }
0x32: {  	[tilespmem:$0x7A00] =	vst v0  }
0x33: {  	[tilespmem:$0x7A10] =	vst v0  }
0x34: {  	[tilespmem:$0x7A20] =	vst v0  }
0x35: {  	[tilespmem:$0x7A30] =	vst v0  }
0x36: {  	[tilespmem:$0x7A40] =	vst v0  }
0x37: {  	[tilespmem:$0x7A50] =	vst v0  }
0x38: {  	[tilespmem:$0x7A60] =	vst v0  }
0x39: {  	[tilespmem:$0x7A70] =	vst v0;
	s22 =	simm.s32 $0x40;
	s23 =	simm.s32 $0x0  }
.LBB2_2:
0x3a: {  	p0 =	sne.s32 s22, $0x9FC0;
	[tilespmem:s23+$0x5000] =	vst v1;
	s23 =	smov.u32 s22;
	s22 =	sadd.s32 $0x40, s22  }
.Ltmp0:
0x3b: {  	(pc) =	sbr.rel @p0 .LBB2_2-.Ltmp0, $2  }
0x3c: {  	_ =	sdelay $0x2  }
0x3d: {  	s23 =	sshra.s32 s23, $0x2  }
0x3e: {  	[tilespmem:s23+$0x5000] =	vst v1  }
0x3f: {  	[spmem:s5] =	stream.linear.scatter [tilespmem:s12], [sflag:$0x1], $0x280, $0x38;
	[tilespmem:$0x7F80] =	vst v63  }
0x40: {  	_ =	swait.ge [sflag:s13], $0x280  }
0x41: {  	[sflag:s13] =	ssyncset.done $0x0  }
0x42: {  	[sflag:s13] =	ssyncadd.s32 $0xFFFFFD80  }
0x43: {  	[spmem:s6] =	stream.linear.scatter [tilespmem:s12], [sflag:$0x1], $0x280, $0x38;
	[tilespmem:$0x7F80] =	vst v63  }
0x44: {  	_ =	swait.ge [sflag:s13], $0x280  }
0x45: {  	[sflag:s13] =	ssyncset.done $0x0  }
0x46: {  	[sflag:s13] =	ssyncadd.s32 $0xFFFFFD80  }
0x47: {  	[tilespmem:s4], [sflag:$0x1] =	stream.linear.gather [hbm4b:s7+s4], $0x2800, $0x38;
	[tilespmem:$0x7F80] =	vst v63  }
0x48: {  	_ =	swait.ge [sflag:s13], $0x2800  }
0x49: {  	[sflag:s13] =	ssyncset.done $0x0  }
0x4a: {  	[sflag:s13] =	ssyncadd.s32 $0xFFFFD800  }
0x4b: {  	[tilespmem:s14], [sflag:$0x1] =	stream.linear.gather [hbm4b:s8+s4], $0x2800, $0x38;
	[tilespmem:$0x7F80] =	vst v63  }
0x4c: {  	_ =	swait.ge [sflag:s13], $0x2800  }
0x4d: {  	[sflag:s13] =	ssyncset.done $0x0  }
0x4e: {  	[sflag:s13] =	ssyncadd.s32 $0xFFFFD800  }
0x4f: {  	[bflag:$0x0] =	sbarrier.arrive $0xFFFF  }
0x50: {  	[spmem:s1] =	stream.indirect.scatter.add.f32 [tilespmem:s15], [sflag:$0x1], $0x1, s4, s14, $0xb8;
	[tilespmem:$0x7F80] =	vst v63  }
0x51: {  	_ =	swait.ge [sflag:s13], $0x2800  }
0x52: {  	[sflag:s13] =	ssyncset.done $0x0  }
0x53: {  	[sflag:s13] =	ssyncadd.s32 $0xFFFFD800  }
0x54: {  	[spmem:s2] =	stream.indirect.scatter.add.f32 [tilespmem:s15], [sflag:$0x1], $0x1, s14, s14, $0xb8;
	[tilespmem:$0x7F80] =	vst v63  }
0x55: {  	_ =	swait.ge [sflag:s13], $0x2800  }
0x56: {  	[sflag:s13] =	ssyncset.done $0x0  }
0x57: {  	[sflag:s13] =	ssyncadd.s32 $0xFFFFD800  }
0x58: {  	[bflag:$0x0] =	sbarrier.arrive $0xFFFF  }
0x59: {  	[hbm:s9@s18], [sflag:s16] =	dma.strided [spmem:s17@s19], $0x50, s13, $0x10   }
0x5a: {  	s21 =	sadd.s32 $0x1, s21;
	_ =	swait.ge [sflag:s13], $0x50  }
0x5b: {  	p0 =	sne.s32 s21, s11;
	[sflag:s13] =	ssyncset.done $0x0  }
.Ltmp1:
0x5c: {  	[sflag:s13] =	ssyncadd.s32 $0xFFFFFFB0;
	(pc) =	sbr.rel @p0 .LBB2_1-.Ltmp1, $4  }
0x5d: {  	[hbm:s10@s18], [sflag:s16] =	dma.strided [spmem:s20@s19], $0x50, s13, $0x10   }
0x5e: {  	_ =	swait.ge [sflag:s13], $0x50  }
0x5f: {  	[sflag:s13] =	ssyncset.done $0x0  }
0x60: {  	[sflag:s13] =	ssyncadd.s32 $0xFFFFFFB0  }
0x61: {  	_ =	sfence.sel $0x180000  }
0x62: {  	[bflag:$0x0] =	sbarrier.arrive $0xFFFF  }
0x63: {  	p0 =	sne.s32 s3, $0x0;
	_ =	strace $0x90000047  }
0x64: {  	s0 =	sadd.s32 @!p0 $0x100000, s0;
	[bflag:$0x2] =	sbarrier.arrive $0xFFFF  }
0x65: {  	[sflag:s0] =	ssyncadd.tile.s32 @!p0 $0x1;
	_ =	shalt  }
.Lfunc_end2:
_tile_overlayer_lowered:
.L_overlay_start_2:
0x66: {  	(tag) =	ssettag $0x2  }
0x67: {  	s0 =	rddreg [dreg:$0x0];
	s2 =	stileid.u32  }
0x68: {  	s1 =	rddreg [dreg:$0x1];
	p0 =	sne.s32 s2, $0x0  }
0x69: {  	s3 =	rddreg [dreg:$0x2];
	[bflag:$0x3] =	sbarrier.arrive $0xFFFF;
	s2 =	simm.s32 @!p0 $0x1C01  }
0x6a: {  	[timem:s3], [sflag:s2] =	dma.local @!p0 [hbm:s0], s1  }
0x6b: {  	s0 =	simm.s32 @!p0 $0x1  }
0x6c: {  	_ =	swait.ge @!p0 [sflag:s0], s1  }
0x6d: {  	s1 =	ssub.s32 @!p0 $0x0, s1;
	[sflag:s0] =	ssyncset.done @!p0 $0x0  }
0x6e: {  	[sflag:s0] =	ssyncadd.s32 @!p0 s1  }
0x6f: {  	[bflag:$0x3] =	sbarrier.arrive $0xFFFF  }
0x70: {  	_ =	shalt  }

// kernel: kernel.9.cloned.1.call-start
scs
__scs_entry_jumppad:
0x0: {  	(pc) =	sbr.rel $0x88, $3  }
0x1: {  	(tag) =	ssettag $0x0;
	lr =	simm.s32 $0x1  }
0x2: {  	[smem:$0x3F97] =	sst lr;
	_ =	strace $0xD0000000  }
0x3: {  	_ = 	snop  }
0x4: {  	_ = 	snop  }
0x5: {  	_ = 	snop  }
0x6: {  	_ = 	snop  }
0x7: {  	_ = 	snop  }
__scs_overlays_trampoline_lowered:
0x8: {  	[smem:$0x3FA6] =	sst s0  }
0x9: {  	[smem:$0x3FA7] =	sst s1  }
0xa: {  	[smem:$0x3FA8] =	sst s2  }
0xb: {  	[smem:$0x3FA9] =	sst s3  }
0xc: {  	[smem:$0x3FAA] =	sst s4  }
0xd: {  	[smem:$0x3FAB] =	sst s5  }
0xe: {  	[smem:$0x3FAC] =	sst s6  }
0xf: {  	[smem:$0x3FAD] =	sst s7  }
0x10: {  	[smem:$0x3FAE] =	sst s8  }
0x11: {  	[smem:$0x3FAF] =	sst s9;
	s0 =	simm.s32 @!p0 $0x0  }
0x12: {  	s1 =	sld [smem:$0x3F95];
	s0 =	simm.s32 @p0 $0x1  }
0x13: {  	[smem:$0x3FB0] =	sst s0;
	s0 =	simm.s32 @!p1 $0x0  }
0x14: {  	s2 =	sld [smem:$0x3F94];
	s0 =	simm.s32 @p1 $0x1  }
0x15: {  	[smem:$0x3FB1] =	sst s0;
	s0 =	simm.s32 @!p2 $0x0  }
0x16: {  	s3 =	sld [smem:$0x3FDB];
	s0 =	simm.s32 @p2 $0x1  }
0x17: {  	s4 =	simm.s32 $0x1BF5;
	[smem:$0x3FB3] =	sst s0  }
0x18: {  	s0 =	sld [smem:$0x3F96];
	_ =	swait.ge [sflag:s4], $0x0  }
0x19: {  	s7 =	sld [smem:$0x3F97]  }
0x1a: {  	s8 =	sadd.s32 $0xFFFFE003, lr  }
0x1b: {  	s9 =	sadd.s32 $0xFFFFFEF7, lr;
	s5 =	simm.s32 $0xFFFFFFFF;
	p2 =	slt.u32 s8, $0xFFFFF086  }
0x1c: {  	p1 =	slt.u32 s9, $0xF7A;
	s5 =	simm.s32 @!p2 $0x0  }
0x1d: {  	s5 =	simm.s32 @p1 $0x1;
	p0 =	seq.s32 s7, s2  }
0x1e: {  	s7 =	smul.u32 @!p0 $0xF7A, s2;
	p2 =	seq.s32 @!p0 s5, $0x0  }
0x1f: {  	s9 =	smul.u32 $0xF7A, s1;
	s8 =	simm.s32 @!p0 $0x1BF5;
	p2 =	por !p2, p0  }
0x20: {  	[sflag:s8] =	ssyncset.s32 @!p0 $0xFFFFF086;
	s6 =	sadd.s32 @!p0 s3, s7;
	s7 =	simm.s32 @!p0 $0x108  }
0x21: {  	s3 =	sadd.s32 s3, s9;
	s6 =	sadd.s32 @!p0 $0x88, s6;
	s7 =	simm.s32 @p2 $0x1082  }
0x22: {  	[simem:s7], [sflag:s8] =	dma.local @!p0 [hbm:s6], $0xF7A  }
0x23: {  	s9 =	sor.u32 $0xD0000000, s2;
	s6 =	simm.s32 $0x108;
	_ =	swait.ge @!p0 [sflag:s8], $0x0  }
0x24: {  	s3 =	sadd.s32 $0x88, s3;
	s6 =	simm.s32 @!p1 $0x1082;
	[sflag:s4] =	ssyncset.s32 $0xFFFFF086  }
0x25: {  	[simem:s6], [sflag:s4] =	dma.local [hbm:s3], $0xF7A  }
0x26: {  	[smem:$0x3F97] =	sst s1;
	(tag) =	ssettag s2;
	_ =	strace s9  }
0x27: {  	s1 =	sld [smem:$0x3FA7]  }
0x28: {  	s2 =	sld [smem:$0x3FA8]  }
0x29: {  	s4 =	sld [smem:$0x3FAA]  }
0x2a: {  	p0 =	seq.s32 s5, $0x0;
	s5 =	sld [smem:$0x3FAB]  }
0x2b: {  	s6 =	sld [smem:$0x3FAC]  }
0x2c: {  	s7 =	sld [smem:$0x3FAD]  }
0x2d: {  	s3 =	simm.s32 $0x108;
	s8 =	sld [smem:$0x3FAE]  }
0x2e: {  	s3 =	simm.s32 @!p0 $0x1082;
	s9 =	sld [smem:$0x3FAF]  }
0x2f: {  	lr =	sadd.s32 s0, s3;
	s0 =	sld [smem:$0x3FA6]  }
0x30: {  	s3 =	sld [smem:$0x3FA9]  }
0x31: {  	[smem:$0x3FB2] =	sst s10  }
0x32: {  	s10 =	sld [smem:$0x3FB0];
	_ =	sdelay $0x3  }
0x33: {  	p0 =	seq.s32 s10, $0x1;
	s10 =	sld [smem:$0x3FB2];
	_ =	sdelay $0x3  }
0x34: {  	[smem:$0x3FB2] =	sst s10  }
0x35: {  	s10 =	sld [smem:$0x3FB1];
	_ =	sdelay $0x3  }
0x36: {  	p1 =	seq.s32 s10, $0x1;
	s10 =	sld [smem:$0x3FB2];
	_ =	sdelay $0x3  }
0x37: {  	[smem:$0x3FB2] =	sst s10  }
0x38: {  	s10 =	sld [smem:$0x3FB3]  }
0x39: {  	_ = 	snop;
	(pc) =	sbr.ind lr, $3  }
0x3a: {  	_ = 	snop  }
0x3b: {  	_ = 	snop  }
0x3c: {  	p2 =	seq.s32 s10, $0x1;
	s10 =	sld [smem:$0x3FB2]  }
0x3d: {  	_ =	shalt  }
0x3e: {  	_ =	shalt  }
0x3f: {  	_ =	shalt  }
0x40: {  	_ =	shalt  }
0x41: {  	_ =	shalt  }
0x42: {  	_ =	shalt  }
0x43: {  	_ =	shalt  }
0x44: {  	_ =	shalt  }
0x45: {  	_ =	shalt  }
0x46: {  	_ =	shalt  }
0x47: {  	_ =	shalt  }
0x48: {  	_ =	shalt  }
0x49: {  	_ =	shalt  }
0x4a: {  	_ =	shalt  }
0x4b: {  	_ =	shalt  }
0x4c: {  	_ =	shalt  }
0x4d: {  	_ =	shalt  }
0x4e: {  	_ =	shalt  }
0x4f: {  	_ =	shalt  }
0x50: {  	_ =	shalt  }
0x51: {  	_ =	shalt  }
0x52: {  	_ =	shalt  }
0x53: {  	_ =	shalt  }
0x54: {  	_ =	shalt  }
0x55: {  	_ =	shalt  }
0x56: {  	_ =	shalt  }
0x57: {  	_ =	shalt  }
0x58: {  	_ =	shalt  }
0x59: {  	_ =	shalt  }
0x5a: {  	_ =	shalt  }
0x5b: {  	_ =	shalt  }
0x5c: {  	_ =	shalt  }
0x5d: {  	_ =	shalt  }
0x5e: {  	_ =	shalt  }
0x5f: {  	_ =	shalt  }
0x60: {  	_ =	shalt  }
0x61: {  	_ =	shalt  }
0x62: {  	_ =	shalt  }
0x63: {  	_ =	shalt  }
0x64: {  	_ =	shalt  }
0x65: {  	_ =	shalt  }
0x66: {  	_ =	shalt  }
0x67: {  	_ =	shalt  }
0x68: {  	_ =	shalt  }
0x69: {  	_ =	shalt  }
0x6a: {  	_ =	shalt  }
0x6b: {  	_ =	shalt  }
0x6c: {  	_ =	shalt  }
0x6d: {  	_ =	shalt  }
0x6e: {  	_ =	shalt  }
0x6f: {  	_ =	shalt  }
0x70: {  	_ =	shalt  }
0x71: {  	_ =	shalt  }
0x72: {  	_ =	shalt  }
0x73: {  	_ =	shalt  }
0x74: {  	_ =	shalt  }
0x75: {  	_ =	shalt  }
0x76: {  	_ =	shalt  }
0x77: {  	_ =	shalt  }
0x78: {  	_ =	shalt  }
0x79: {  	_ =	shalt  }
0x7a: {  	_ =	shalt  }
0x7b: {  	_ =	shalt  }
0x7c: {  	_ =	shalt  }
0x7d: {  	_ =	shalt  }
0x7e: {  	_ =	shalt  }
0x7f: {  	_ =	shalt  }
0x80: {  	_ =	shalt  }
0x81: {  	_ =	shalt  }
0x82: {  	_ =	shalt  }
0x83: {  	_ =	shalt  }
0x84: {  	_ =	shalt  }
0x85: {  	_ =	shalt  }
0x86: {  	_ =	shalt  }
0x87: {  	_ =	shalt  }
.Lfunc_end0:
.L_simem_size_0:
called_computation.1_lowered:
.L_overlay_start_0:
0x88: {  	s2 =	sld [smem:$0x3FD9]  }
0x89: {  	s3 =	sld [smem:$0x3FFE];
	_ =	sdelay $0x1  }
0x8a: {  	s1 =	srdreg.scid  }
0x8b: {  	s0 =	sand.u32 $0x1, s1  }
0x8c: {  	s17 =	sshll.u32 s0, $0xA;
	s2 =	sadd.s32 s3, s2  }
0x8d: {  	s2 =	sadd.s32 s2, s17  }
0x8e: {  	[smem:$0x3FBE] =	sst s2  }
0x8f: {  	_ = 	snop  }
0x90: {  	s2 =	sld [smem:$0x3FD0];
	(tm) =	ssettm $0x1  }
0x91: {  	s18 =	sld [smem:$0x3FFB];
	_ =	sdelay $0x3  }
0x92: {  	_ =	strace s18  }
0x93: {  	s3 =	sld [smem:$0x3FFC];
	_ =	sdelay $0x3  }
0x94: {  	_ =	strace s3  }
0x95: {  	s3 =	sld [smem:$0x3FFD];
	_ =	sdelay $0x3  }
0x96: {  	_ =	strace s3  }
0x97: {  	_ =	strace $0x8FFFFFFF  }
0x98: {  	s19 =	sld [smem:$0x3FDB];
	_ =	sdelay $0x1  }
0x99: {  	s4 =	simm.s32 $_scs_section_size  }
0x9a: {  	s5 =	simm.s32 $_size__tile_overlayer_lowered;
	s6 =	simm.s32 $_tile_overlayer_lowered  }
0x9b: {  	s22 =	simm.s32 $0x1BFF;
	s21 =	sshll.u32 s6, $0x1;
	s3 =	sadd.s32 s4, s19  }
0x9c: {  	s7 =	simm.s32 $0x0;
	s20 =	sshll.u32 s5, $0x1;
	s5 =	sadd.s32 s21, s3  }
0x9d: {  	[timem:s7], [sflag:s22] =	dma.local [hbm:s5], s20  }
0x9e: {  	_ =	swait.ge [sflag:s22], s20  }
0x9f: {  	s4 =	ssub.s32 $0x0, s20;
	[sflag:s22] =	ssyncset.done $0x0  }
0xa0: {  	[sflag:s22] =	ssyncadd.s32 s4;
	_ =	sdelay $0x1  }
0xa1: {  	s23 =	simm.s32 $0x1B8B  }
0xa2: {  	_ =	swait.ge [sflag:s23], $0x1  }
0xa3: {  	[sflag:s23] =	ssyncset.done $0x0  }
0xa4: {  	s25 =	simm.s32 $0x1B8E;
	s24 =	sld [smem:$0x3FFE];
	[sflag:s23] =	ssyncadd.s32 $0xFFFFFFFF  }
0xa5: {  	s26 =	simm.s32 $execute0_lowered;
	[smem:$0x3FD2] =	sst s25  }
0xa6: {  	s5 =	sshll.u32 s26, $0x1;
	_ =	strace $0x80000049;
	[dreg:$0x1] =	wrdreg $0xFFFFFFFF  }
0xa7: {  	s28 =	simm.s32 $_size_execute0_lowered;
	s3 =	sadd.s32 s3, s5;
	[dreg:$0x0] =	wrdreg $0x0  }
0xa8: {  	s5 =	sshll.u32 s28, $0x1;
	[dreg:$0x2] =	wrdreg s3  }
0xa9: {  	[dreg:$0x3] =	wrdreg s5  }
0xaa: {  	[dreg:$0x4] =	wrdreg $0xC0  }
0xab: {  	_ =	task [dreg:s7], $0x5FFFF  }
0xac: {  	[dreg:$0x1] =	wrdreg $0xFFFFFFFF  }
0xad: {  	[dreg:$0x0] =	wrdreg $0x60  }
0xae: {  	[dreg:$0x2] =	wrdreg s24  }
0xaf: {  	[dreg:$0x3] =	wrdreg s2  }
0xb0: {  	[dreg:$0x4] =	wrdreg $0xA8000  }
0xb1: {  	[dreg:$0x5] =	wrdreg $0x9  }
0xb2: {  	_ =	task.clear_ibuf [dreg:s7], $0x6FFFF;
	_ =	strace $0x90000049  }
0xb3: {  	s29 =	simm.s32 $0x9;
	_ =	strace $0x8000004B  }
0xb4: {  	_ =	swait.ge [sflag:s29], $0x1  }
0xb5: {  	[sflag:s29] =	ssyncadd.s32 $0xFFFFFFFF  }
0xb6: {  	_ =	strace $0x9000004B  }
0xb7: {  	_ =	sfence  }
0xb8: {  	s30 =	sld [smem:$0x0];
	_ =	sdelay $0x2  }
0xb9: {  	s31 =	sshll.u32 s1, $0xD;
	s1 =	sshrl.u32 s1, $0x2  }
0xba: {  	s3 =	sand.u32 $0x4000, s31;
	s1 =	sadd.s32 s1, s30  }
0xbb: {  	s0 =	sor.u32 s3, s0;
	s1 =	sshll.u32 s1, $0x11  }
0xbc: {  	s0 =	sor.u32 s1, s0  }
0xbd: {  	s0 =	sadd.s32 $0x8F2B, s0  }
0xbe: {  	[sflag:s0] =	ssyncadd.remote.s32 $0x1  }
0xbf: {  	_ =	sfence.sel $0xFFFF  }
0xc0: {  	[dreg:$0x0] =	wrdreg $0xFFFFFFFF;
	(pc) =	sbr.abs _section_cstart, $3  }
0xc1: {  	[dreg:$0x1] =	wrdreg $0xFFFFFFFF  }
0xc2: {  	_ =	task.clear_ibuf [dreg:s7], $0x2FFFF;
	_ =	strace $0x9FFFFFFF  }
0xc3: {  	(tm) =	ssettm $0x7FFFFFFF  }
tec
execute0_lowered:
.L_overlay_start_1:
0x0: {  	(tag) =	ssettag $0x1  }
0x1: {  	s5 =	rddreg [dreg:$0x0]  }
0x2: {  	s14 =	rddreg [dreg:$0x1]  }
0x3: {  	s1 =	rddreg [dreg:$0x2]  }
0x4: {  	s0 =	rddreg [dreg:$0x3];
	s3 =	simm.s32 $0x0;
	s6 =	srdreg.scid  }
0x5: {  	s2 =	stileid.u32;
	s19 =	simm.s32 $0x80;
	s20 =	simm.s32 $0x6800  }
0x6: {  	s21 =	simm.s32 $0x1;
	s22 =	simm.s32 $0x2;
	s23 =	simm.s32 $0x2700  }
0x7: {  	s24 =	simm.s32 $0x2780;
	[smem:$0x7FF] =	sst s3;
	s4 =	sadd.s32 $0x16E00, s5  }
0x8: {  	s6 =	sand.u32 $0x1, s6;
	s7 =	sshll.u32 s2, $0x1;
	s8 =	smul.u32 $0x50000, s2  }
0x9: {  	s12 =	sadd.s32 $0xC400, s5;
	s13 =	sadd.s32 $0x2400, s5;
	s17 =	smul.u32 $0x14000, s2  }
0xa: {  	s7 =	sor.u32 s6, s7;
	s31 =	ssub.s32 $0x2, s6;
	s16 =	smul.u32 $0x140000, s6  }
0xb: {  	_ =	strace $0x8000004A;
	s11 =	smul.u32 $0x500, s7;
	s9 =	sshrl.u32 s31, $0x1  }
0xc: {  	s8 =	sshrl.u32 s8, $0x2;
	s10 =	smul.u32 $0x2800, s7;
	s15 =	ssub.s32 s31, s9  }
0xd: {  	s5 =	sadd.s32 s8, s1;
	s16 =	sadd.s32 s17, s16;
	s17 =	simm.s32 $0x3  }
0xe: {  	s6 =	sadd.s32 $0x4000, s5;
	s7 =	sadd.s32 $0x8000, s5;
	s8 =	sadd.s32 $0xC000, s5  }
0xf: {  	s9 =	sadd.s32 $0x10000, s5;
	s18 =	sshrl.u32 s10, $0x3;
	s10 =	sadd.s32 s12, s11  }
0x10: {  	s11 =	sadd.s32 s13, s11;
	s16 =	sshrl.u32 s16, $0x3;
	s15 =	smax.u32 s15, $0x1  }
0x11: {  	s18 =	sadd.s32 $0x280, s18;
	s14 =	sadd.s32 s14, s16;
	s16 =	simm.s32 $0x2800  }
0x12: {  	v0 =	vimm.f32 $0.0e+00;
	s12 =	sadd.s32 s12, s18;
	s13 =	sadd.s32 s13, s18;
	s18 =	simm.s32 $0x1400  }
.LBB2_1:
0x13: {  	s25 =	simm.s32 $0x0;
	s26 =	simm.s32 $0x200  }
.LBB2_2:
0x14: {  	p0 =	sne.s32 s26, $0xFE00;
	[tilespmem:s25+$0x2870] =	vst v0  }
0x15: {  	[tilespmem:s25+$0x2800] =	vst v0  }
0x16: {  	[tilespmem:s25+$0x2810] =	vst v0  }
.Ltmp0:
0x17: {  	[tilespmem:s25+$0x2820] =	vst v0;
	(pc) =	sbr.rel @p0 .LBB2_2-.Ltmp0, $4  }
0x18: {  	[tilespmem:s25+$0x2830] =	vst v0  }
0x19: {  	[tilespmem:s25+$0x2840] =	vst v0  }
0x1a: {  	[tilespmem:s25+$0x2850] =	vst v0  }
0x1b: {  	[tilespmem:s25+$0x2860] =	vst v0;
	s25 =	sshra.s32 s26, $0x2;
	s26 =	sadd.s32 $0x200, s26  }
0x1c: {  	[tilespmem:s25+$0x2870] =	vst v0  }
0x1d: {  	[tilespmem:s25+$0x2800] =	vst v0  }
0x1e: {  	[tilespmem:s25+$0x2810] =	vst v0  }
0x1f: {  	[tilespmem:s25+$0x2820] =	vst v0  }
0x20: {  	[tilespmem:s25+$0x2830] =	vst v0  }
0x21: {  	[tilespmem:s25+$0x2840] =	vst v0  }
0x22: {  	[tilespmem:s25+$0x2850] =	vst v0  }
0x23: {  	[tilespmem:s25+$0x2860] =	vst v0  }
0x24: {  	[spmem:s5] =	stream.linear.scatter [tilespmem:s16], [sflag:$0x3], $0x4000, $0x38;
	[tilespmem:$0x1E800] =	vst v63  }
0x25: {  	_ =	swait.ge [sflag:s17], $0x4000  }
0x26: {  	[sflag:s17] =	ssyncset.done $0x0  }
0x27: {  	[sflag:s17] =	ssyncadd.s32 $0xFFFFC000  }
0x28: {  	[spmem:s6] =	stream.linear.scatter [tilespmem:s16], [sflag:$0x3], $0x4000, $0x38;
	[tilespmem:$0x1E800] =	vst v63  }
0x29: {  	_ =	swait.ge [sflag:s17], $0x4000  }
0x2a: {  	[sflag:s17] =	ssyncset.done $0x0  }
0x2b: {  	[sflag:s17] =	ssyncadd.s32 $0xFFFFC000  }
0x2c: {  	[spmem:s7] =	stream.linear.scatter [tilespmem:s16], [sflag:$0x3], $0x4000, $0x38;
	[tilespmem:$0x1E800] =	vst v63  }
0x2d: {  	_ =	swait.ge [sflag:s17], $0x4000  }
0x2e: {  	[sflag:s17] =	ssyncset.done $0x0  }
0x2f: {  	[sflag:s17] =	ssyncadd.s32 $0xFFFFC000  }
0x30: {  	[spmem:s8] =	stream.linear.scatter [tilespmem:s16], [sflag:$0x3], $0x4000, $0x38;
	[tilespmem:$0x1E800] =	vst v63  }
0x31: {  	_ =	swait.ge [sflag:s17], $0x4000  }
0x32: {  	[sflag:s17] =	ssyncset.done $0x0  }
0x33: {  	[sflag:s17] =	ssyncadd.s32 $0xFFFFC000  }
0x34: {  	[spmem:s9] =	stream.linear.scatter [tilespmem:s16], [sflag:$0x3], $0x4000, $0x38;
	[tilespmem:$0x1E800] =	vst v63  }
0x35: {  	_ =	swait.ge [sflag:s17], $0x4000  }
0x36: {  	[sflag:s17] =	ssyncset.done $0x0  }
0x37: {  	[sflag:s17] =	ssyncadd.s32 $0xFFFFC000  }
0x38: {  	s28 =	simm.s32 $0x0;
	[bflag:$0x0] =	sbarrier.arrive $0xFFFF  }
0x39: {  	[tilespmem:s28], [sflag:$0x3] =	stream.linear.gather [hbm4b:s10+s28], $0x1400, $0x38;
	[tilespmem:$0x1E800] =	vst v63  }
0x3a: {  	_ =	swait.ge [sflag:s17], $0x1400  }
0x3b: {  	[sflag:s17] =	ssyncset.done $0x0  }
0x3c: {  	[sflag:s17] =	ssyncadd.s32 $0xFFFFEC00  }
0x3d: {  	[tilespmem:s18], [sflag:$0x3] =	stream.linear.gather [hbm4b:s11+s28], $0x1400, $0x38;
	[tilespmem:$0x1E800] =	vst v63  }
0x3e: {  	_ =	swait.ge [sflag:s17], $0x1400  }
0x3f: {  	[sflag:s17] =	ssyncset.done $0x0  }
0x40: {  	[sflag:s17] =	ssyncadd.s32 $0xFFFFEC00  }
0x41: {  	[tilespmem:s16], [sflag:$0x1] =	stream.indirect.gather [hbm4b:s4+s19], $0x80, s28, s19, $0xb8;
	[tilespmem:$0x1E800] =	vst v63  }
0x42: {  	_ = 	snop  }
0x43: {  	[tilespmem:s20], [sflag:$0x2] =	stream.indirect.gather [hbm4b:s4+s19], $0x80, s19, s19, $0xb8;
	[tilespmem:$0x1E800] =	vst v63  }
0x44: {  	_ =	swait.ge [sflag:s21], $0x4000  }
0x45: {  	[sflag:s21] =	ssyncset.done $0x0  }
0x46: {  	s29 =	simm.s32 $0x1400;
	[sflag:s21] =	ssyncadd.s32 $0xFFFFC000  }
0x47: {  	[spmem:s1] =	stream.indirect.scatter.add.f32 [tilespmem:s16], [sflag:$0x3], $0x80, s29, s19, $0xb8;
	[tilespmem:$0x1E800] =	vst v63  }
0x48: {  	_ =	swait.ge [sflag:s17], $0x4000  }
0x49: {  	[sflag:s17] =	ssyncset.done $0x0  }
0x4a: {  	s30 =	simm.s32 $0x100;
	[sflag:s17] =	ssyncadd.s32 $0xFFFFC000  }
0x4b: {  	[tilespmem:s16], [sflag:$0x1] =	stream.indirect.gather [hbm4b:s4+s19], $0x80, s30, s19, $0xb8;
	[tilespmem:$0x1E800] =	vst v63  }
0x4c: {  	_ =	swait.ge [sflag:s22], $0x4000  }
0x4d: {  	[sflag:s22] =	ssyncset.done $0x0  }
0x4e: {  	s31 =	simm.s32 $0x1480;
	[sflag:s22] =	ssyncadd.s32 $0xFFFFC000  }
0x4f: {  	[spmem:s1] =	stream.indirect.scatter.add.f32 [tilespmem:s20], [sflag:$0x3], $0x80, s31, s19, $0xb8;
	[tilespmem:$0x1E800] =	vst v63  }
0x50: {  	_ =	swait.ge [sflag:s17], $0x4000  }
0x51: {  	[sflag:s17] =	ssyncset.done $0x0  }
0x52: {  	s25 =	simm.s32 $0x400;
	s26 =	simm.s32 $0x180;
	[sflag:s17] =	ssyncadd.s32 $0xFFFFC000  }
.LBB2_4:
0x53: {  	[tilespmem:s20], [sflag:$0x2] =	stream.indirect.gather [hbm4b:s4+s19], $0x80, s26, s19, $0xb8;
	[tilespmem:$0x1E800] =	vst v63  }
0x54: {  	s26 =	smov.u32 s25  }
0x55: {  	p0 =	sne.s32 s25, $0x4800;
	s25 =	sadd.s32 $0x400, s25;
	_ =	swait.ge [sflag:s21], $0x4000  }
0x56: {  	s26 =	sshra.s32 s26, $0x2;
	[sflag:s21] =	ssyncset.done $0x0  }
0x57: {  	s28 =	sadd.s32 $0x1400, s26;
	[sflag:s21] =	ssyncadd.s32 $0xFFFFC000  }
0x58: {  	[spmem:s1] =	stream.indirect.scatter.add.f32 [tilespmem:s16], [sflag:$0x3], $0x80, s28, s19, $0xb8;
	[tilespmem:$0x1E800] =	vst v63  }
0x59: {  	_ =	swait.ge [sflag:s17], $0x4000  }
0x5a: {  	[sflag:s17] =	ssyncset.done $0x0  }
0x5b: {  	s28 =	sadd.s32 $0x100, s26;
	[sflag:s17] =	ssyncadd.s32 $0xFFFFC000  }
0x5c: {  	[tilespmem:s16], [sflag:$0x1] =	stream.indirect.gather [hbm4b:s4+s19], $0x80, s28, s19, $0xb8;
	[tilespmem:$0x1E800] =	vst v63  }
0x5d: {  	_ =	swait.ge [sflag:s22], $0x4000  }
0x5e: {  	[sflag:s22] =	ssyncset.done $0x0  }
.Ltmp1:
0x5f: {  	s28 =	sadd.s32 $0x1480, s26;
	[sflag:s22] =	ssyncadd.s32 $0xFFFFC000;
	(pc) =	sbr.rel @p0 .LBB2_4-.Ltmp1, $4  }
0x60: {  	[spmem:s1] =	stream.indirect.scatter.add.f32 [tilespmem:s20], [sflag:$0x3], $0x80, s28, s19, $0xb8;
	[tilespmem:$0x1E800] =	vst v63  }
0x61: {  	_ =	swait.ge [sflag:s17], $0x4000  }
0x62: {  	[sflag:s17] =	ssyncset.done $0x0  }
0x63: {  	s26 =	sadd.s32 $0x180, s26;
	[sflag:s17] =	ssyncadd.s32 $0xFFFFC000  }
0x64: {  	[tilespmem:s20], [sflag:$0x2] =	stream.indirect.gather [hbm4b:s4+s19], $0x80, s26, s19, $0xb8;
	[tilespmem:$0x1E800] =	vst v63  }
0x65: {  	_ =	swait.ge [sflag:s21], $0x4000  }
0x66: {  	[sflag:s21] =	ssyncset.done $0x0  }
0x67: {  	[sflag:s21] =	ssyncadd.s32 $0xFFFFC000  }
0x68: {  	[spmem:s1] =	stream.indirect.scatter.add.f32 [tilespmem:s16], [sflag:$0x3], $0x80, s23, s19, $0xb8;
	[tilespmem:$0x1E800] =	vst v63  }
0x69: {  	_ =	swait.ge [sflag:s17], $0x4000  }
0x6a: {  	[sflag:s17] =	ssyncset.done $0x0  }
0x6b: {  	[sflag:s17] =	ssyncadd.s32 $0xFFFFC000  }
0x6c: {  	_ =	swait.ge [sflag:s22], $0x4000  }
0x6d: {  	[sflag:s22] =	ssyncset.done $0x0  }
0x6e: {  	[sflag:s22] =	ssyncadd.s32 $0xFFFFC000  }
0x6f: {  	[spmem:s1] =	stream.indirect.scatter.add.f32 [tilespmem:s20], [sflag:$0x3], $0x80, s24, s19, $0xb8;
	[tilespmem:$0x1E800] =	vst v63  }
0x70: {  	_ =	swait.ge [sflag:s17], $0x4000  }
0x71: {  	[sflag:s17] =	ssyncset.done $0x0  }
0x72: {  	s25 =	simm.s32 $0x0;
	[sflag:s17] =	ssyncadd.s32 $0xFFFFC000  }
0x73: {  	[tilespmem:s25], [sflag:$0x3] =	stream.linear.gather [hbm4b:s12+s25], $0x1400, $0x38;
	[tilespmem:$0x1E800] =	vst v63  }
0x74: {  	_ =	swait.ge [sflag:s17], $0x1400  }
0x75: {  	[sflag:s17] =	ssyncset.done $0x0  }
0x76: {  	[sflag:s17] =	ssyncadd.s32 $0xFFFFEC00  }
0x77: {  	[tilespmem:s18], [sflag:$0x3] =	stream.linear.gather [hbm4b:s13+s25], $0x1400, $0x38;
	[tilespmem:$0x1E800] =	vst v63  }
0x78: {  	_ =	swait.ge [sflag:s17], $0x1400  }
0x79: {  	[sflag:s17] =	ssyncset.done $0x0  }
0x7a: {  	[sflag:s17] =	ssyncadd.s32 $0xFFFFEC00  }
0x7b: {  	[tilespmem:s16], [sflag:$0x1] =	stream.indirect.gather [hbm4b:s4+s19], $0x80, s25, s19, $0xb8;
	[tilespmem:$0x1E800] =	vst v63  }
0x7c: {  	_ = 	snop  }
0x7d: {  	[tilespmem:s20], [sflag:$0x2] =	stream.indirect.gather [hbm4b:s4+s19], $0x80, s19, s19, $0xb8;
	[tilespmem:$0x1E800] =	vst v63  }
0x7e: {  	_ =	swait.ge [sflag:s21], $0x4000  }
0x7f: {  	[sflag:s21] =	ssyncset.done $0x0  }
0x80: {  	s29 =	simm.s32 $0x1400;
	[sflag:s21] =	ssyncadd.s32 $0xFFFFC000  }
0x81: {  	[spmem:s1] =	stream.indirect.scatter.add.f32 [tilespmem:s16], [sflag:$0x3], $0x80, s29, s19, $0xb8;
	[tilespmem:$0x1E800] =	vst v63  }
0x82: {  	_ =	swait.ge [sflag:s17], $0x4000  }
0x83: {  	[sflag:s17] =	ssyncset.done $0x0  }
0x84: {  	s30 =	simm.s32 $0x100;
	[sflag:s17] =	ssyncadd.s32 $0xFFFFC000  }
0x85: {  	[tilespmem:s16], [sflag:$0x1] =	stream.indirect.gather [hbm4b:s4+s19], $0x80, s30, s19, $0xb8;
	[tilespmem:$0x1E800] =	vst v63  }
0x86: {  	_ =	swait.ge [sflag:s22], $0x4000  }
0x87: {  	[sflag:s22] =	ssyncset.done $0x0  }
0x88: {  	s31 =	simm.s32 $0x1480;
	[sflag:s22] =	ssyncadd.s32 $0xFFFFC000  }
0x89: {  	[spmem:s1] =	stream.indirect.scatter.add.f32 [tilespmem:s20], [sflag:$0x3], $0x80, s31, s19, $0xb8;
	[tilespmem:$0x1E800] =	vst v63  }
0x8a: {  	_ =	swait.ge [sflag:s17], $0x4000  }
0x8b: {  	[sflag:s17] =	ssyncset.done $0x0  }
0x8c: {  	s26 =	simm.s32 $0x180;
	s25 =	simm.s32 $0x400;
	[sflag:s17] =	ssyncadd.s32 $0xFFFFC000  }
.LBB2_6:
0x8d: {  	[tilespmem:s20], [sflag:$0x2] =	stream.indirect.gather [hbm4b:s4+s19], $0x80, s26, s19, $0xb8;
	[tilespmem:$0x1E800] =	vst v63  }
0x8e: {  	s26 =	smov.u32 s25  }
0x8f: {  	p0 =	sne.s32 s25, $0x4800;
	s25 =	sadd.s32 $0x400, s25;
	_ =	swait.ge [sflag:s21], $0x4000  }
0x90: {  	s26 =	sshra.s32 s26, $0x2;
	[sflag:s21] =	ssyncset.done $0x0  }
0x91: {  	s28 =	sadd.s32 $0x1400, s26;
	[sflag:s21] =	ssyncadd.s32 $0xFFFFC000  }
0x92: {  	[spmem:s1] =	stream.indirect.scatter.add.f32 [tilespmem:s16], [sflag:$0x3], $0x80, s28, s19, $0xb8;
	[tilespmem:$0x1E800] =	vst v63  }
0x93: {  	_ =	swait.ge [sflag:s17], $0x4000  }
0x94: {  	[sflag:s17] =	ssyncset.done $0x0  }
0x95: {  	s28 =	sadd.s32 $0x100, s26;
	[sflag:s17] =	ssyncadd.s32 $0xFFFFC000  }
0x96: {  	[tilespmem:s16], [sflag:$0x1] =	stream.indirect.gather [hbm4b:s4+s19], $0x80, s28, s19, $0xb8;
	[tilespmem:$0x1E800] =	vst v63  }
0x97: {  	_ =	swait.ge [sflag:s22], $0x4000  }
0x98: {  	[sflag:s22] =	ssyncset.done $0x0  }
.Ltmp2:
0x99: {  	s28 =	sadd.s32 $0x1480, s26;
	[sflag:s22] =	ssyncadd.s32 $0xFFFFC000;
	(pc) =	sbr.rel @p0 .LBB2_6-.Ltmp2, $4  }
0x9a: {  	[spmem:s1] =	stream.indirect.scatter.add.f32 [tilespmem:s20], [sflag:$0x3], $0x80, s28, s19, $0xb8;
	[tilespmem:$0x1E800] =	vst v63  }
0x9b: {  	_ =	swait.ge [sflag:s17], $0x4000  }
0x9c: {  	[sflag:s17] =	ssyncset.done $0x0  }
0x9d: {  	s26 =	sadd.s32 $0x180, s26;
	[sflag:s17] =	ssyncadd.s32 $0xFFFFC000  }
0x9e: {  	[tilespmem:s20], [sflag:$0x2] =	stream.indirect.gather [hbm4b:s4+s19], $0x80, s26, s19, $0xb8;
	[tilespmem:$0x1E800] =	vst v63  }
0x9f: {  	_ =	swait.ge [sflag:s21], $0x4000  }
0xa0: {  	[sflag:s21] =	ssyncset.done $0x0  }
0xa1: {  	[sflag:s21] =	ssyncadd.s32 $0xFFFFC000  }
0xa2: {  	[spmem:s1] =	stream.indirect.scatter.add.f32 [tilespmem:s16], [sflag:$0x3], $0x80, s23, s19, $0xb8;
	[tilespmem:$0x1E800] =	vst v63  }
0xa3: {  	_ =	swait.ge [sflag:s17], $0x4000  }
0xa4: {  	[sflag:s17] =	ssyncset.done $0x0  }
0xa5: {  	[sflag:s17] =	ssyncadd.s32 $0xFFFFC000  }
0xa6: {  	_ =	swait.ge [sflag:s22], $0x4000  }
0xa7: {  	[sflag:s22] =	ssyncset.done $0x0  }
0xa8: {  	[sflag:s22] =	ssyncadd.s32 $0xFFFFC000  }
0xa9: {  	[spmem:s1] =	stream.indirect.scatter.add.f32 [tilespmem:s20], [sflag:$0x3], $0x80, s24, s19, $0xb8;
	[tilespmem:$0x1E800] =	vst v63  }
0xaa: {  	_ =	swait.ge [sflag:s17], $0x4000  }
0xab: {  	s25 =	sshll.u32 s2, $0x6;
	s3 =	sadd.s32 $0x1, s3;
	[sflag:s17] =	ssyncset.done $0x0  }
0xac: {  	s31 =	sshrl.u32 s5, $0x3;
	p0 =	sne.s32 s3, s15;
	[sflag:s17] =	ssyncadd.s32 $0xFFFFC000  }
.Ltmp3:
0xad: {  	s25 =	sor.u32 $0x1C03, s25;
	[bflag:$0x0] =	sbarrier.arrive $0xFFFF;
	(pc) =	sbr.rel @p0 .LBB2_1-.Ltmp3, $4  }
0xae: {  	[hbm:s14], [sflag:s25] =	dma.local [spmem:s31], $0x2800  }
0xaf: {  	_ =	swait.ge [sflag:s17], $0x2800  }
0xb0: {  	[sflag:s17] =	ssyncset.done $0x0  }
0xb1: {  	[sflag:s17] =	ssyncadd.s32 $0xFFFFD800  }
0xb2: {  	_ =	sfence.sel $0x180000  }
0xb3: {  	[bflag:$0x0] =	sbarrier.arrive $0xFFFF  }
0xb4: {  	p0 =	sne.s32 s2, $0x0;
	_ =	strace $0x9000004A  }
0xb5: {  	s0 =	sadd.s32 @!p0 $0x100000, s0;
	[bflag:$0x2] =	sbarrier.arrive $0xFFFF  }
0xb6: {  	[sflag:s0] =	ssyncadd.tile.s32 @!p0 $0x1;
	_ =	shalt  }
.Lfunc_end2:
_tile_overlayer_lowered:
.L_overlay_start_2:
0xb7: {  	(tag) =	ssettag $0x2  }
0xb8: {  	s0 =	rddreg [dreg:$0x0];
	s2 =	stileid.u32  }
0xb9: {  	s1 =	rddreg [dreg:$0x1];
	p0 =	sne.s32 s2, $0x0  }
0xba: {  	s3 =	rddreg [dreg:$0x2];
	[bflag:$0x3] =	sbarrier.arrive $0xFFFF;
	s2 =	simm.s32 @!p0 $0x1C03  }
0xbb: {  	[timem:s3], [sflag:s2] =	dma.local @!p0 [hbm:s0], s1  }
0xbc: {  	s0 =	simm.s32 @!p0 $0x3  }
0xbd: {  	_ =	swait.ge @!p0 [sflag:s0], s1  }
0xbe: {  	s1 =	ssub.s32 @!p0 $0x0, s1;
	[sflag:s0] =	ssyncset.done @!p0 $0x0  }
0xbf: {  	[sflag:s0] =	ssyncadd.s32 @!p0 s1  }
0xc0: {  	[bflag:$0x3] =	sbarrier.arrive $0xFFFF  }
0xc1: {  	_ =	shalt  }

</sc_bundles>
